<compile_context>
chip_gen: v7x
topology: tpu7x:2x2x1
jax: 0.10.2.dev20260603
libtpu: 0.0.44.dev20260713+nightly
codegen_flags: <defaults>
</compile_context>

<pallas_src>
import jax
import jax.numpy as jnp
from jax import lax
from jax.experimental import pallas as pl
from jax.experimental.pallas import tpu as pltpu
from jax.experimental.pallas import tpu_sc as plsc

B = 16384
D = 128
NC = 2
NS = 16
NW = NC * NS
BPW = B // NW
CH = 64
NCHUNK = BPW // CH
NSLOT = 4
NTRIP = NCHUNK // NSLOT


def _sie_body(x_hbm, cam_lab_hbm, view_lab_hbm, cam_tab_hbm, view_tab_hbm,
              out_hbm, cam_idx, view_idx,
              *rest):
    accs = rest[0:NSLOT]
    cams = rest[NSLOT:2 * NSLOT]
    views = rest[2 * NSLOT:3 * NSLOT]
    view_shared = rest[3 * NSLOT]
    sems = rest[3 * NSLOT + 1:]
    sx = sems[0:NSLOT]
    sc = sems[NSLOT:2 * NSLOT]
    sv = sems[2 * NSLOT:3 * NSLOT]
    so = sems[3 * NSLOT:4 * NSLOT]

    wid = lax.axis_index("s") * NC + lax.axis_index("c")
    base = wid * BPW

    pltpu.sync_copy(cam_lab_hbm.at[pl.ds(wid * NCHUNK, NCHUNK)], cam_idx)
    pltpu.sync_copy(view_lab_hbm.at[pl.ds(wid * NCHUNK, NCHUNK)], view_idx)

    @pl.when(lax.axis_index("s") == 0)
    def _():
        pltpu.sync_copy(view_tab_hbm, view_shared)

    plsc.subcore_barrier()

    def issue(c, s):
        row0 = base + c * CH
        pltpu.async_copy(x_hbm.at[pl.ds(row0, CH)], accs[s], sx[s])
        pltpu.async_copy(cam_tab_hbm.at[cam_idx.at[c]], cams[s], sc[s])
        pltpu.async_copy(view_shared.at[view_idx.at[c]], views[s], sv[s])

    def wait_in(s):
        pltpu.make_async_copy(x_hbm.at[pl.ds(base, CH)], accs[s], sx[s]).wait()
        pltpu.make_async_copy(cam_tab_hbm.at[cam_idx.at[0]], cams[s],
                              sc[s]).wait()
        pltpu.make_async_copy(view_shared.at[view_idx.at[0]], views[s],
                              sv[s]).wait()

    def wait_store(s):
        pltpu.make_async_copy(accs[s], out_hbm.at[pl.ds(base, CH)],
                              so[s]).wait()

    def compute(s):
        acc, camb, viewb = accs[s], cams[s], views[s]

        @plsc.parallel_loop(0, CH, step=1, unroll=1)
        def row_body(r):
            for cc in range(D // 16):
                sl = pl.ds(cc * 16, 16)
                plsc.addupdate(acc.at[r, sl], camb[r, sl] + viewb[r, sl])

    for s in range(NSLOT):
        issue(s, s)

    def trip(g, _):
        c0 = NSLOT * g
        for s in range(NSLOT):
            wait_in(s)
            compute(s)
            pltpu.async_copy(
                accs[s], out_hbm.at[pl.ds(base + (c0 + s) * CH, CH)], so[s])

            p = s - 1
            if p >= 0:
                @pl.when(g < NTRIP - 1)
                def _():
                    wait_store(p)
                    issue(c0 + p + NSLOT, p)

        @pl.when(g < NTRIP - 1)
        def _():
            wait_store(NSLOT - 1)
            issue(c0 + NSLOT - 1 + NSLOT, NSLOT - 1)

        return 0

    lax.fori_loop(0, NTRIP, trip, 0)
    for s in range(NSLOT):
        wait_store(s)


@jax.jit
def _sie(x, cam_lab2, view_lab2, cam_tab, view_tab):
    mesh = plsc.VectorSubcoreMesh(core_axis_name="c", subcore_axis_name="s",
                                  num_cores=NC, num_subcores=NS)
    return pl.kernel(
        _sie_body,
        out_type=jax.ShapeDtypeStruct((B, D), jnp.float32),
        mesh=mesh,
        scratch_types=(
            [pltpu.VMEM((NCHUNK, CH), jnp.int32)] * 2
            + [pltpu.VMEM((CH, D), jnp.float32)] * (3 * NSLOT)
            + [pltpu.VMEM_SHARED((1000, D), jnp.float32)]
            + [pltpu.SemaphoreType.DMA] * (4 * NSLOT)
        ),
    )(x, cam_lab2, view_lab2, cam_tab, view_tab)


def kernel(x, cam_label, view_label, camera_embedding, view_embedding):
    cam2 = cam_label.reshape(NW * NCHUNK, CH)
    view2 = view_label.reshape(NW * NCHUNK, CH)
    return _sie(x, cam2, view2, camera_embedding, view_embedding)

# --- scband reference (transcript-rebuilt; emitter-appended) ---
"""Pipeline reference for scband-sielayer-2388001817148 (READ-ONLY COPY).

The authoritative reference and input builder live on the scoring server;
editing this copy changes nothing except your own understanding.
"""

import jax, jax.numpy as jnp
import numpy as np

CHANNELS = 128
CAMERA_NUM = 100000
VIEW_NUM = 1000
SIE_XISHU = 1.0
BATCH = 16384


def setup_inputs(seed: int = 0) -> dict:
    key = jax.random.key(seed)
    k1, k2, k3, k4, k5 = jax.random.split(key, 5)
    x = jax.random.normal(k1, (BATCH, CHANNELS), dtype=jnp.float32)
    cam_label = jax.random.randint(k2, (BATCH,), 0, CAMERA_NUM, dtype=jnp.int64 if jax.config.jax_enable_x64 else jnp.int32).astype(jnp.int32)
    view_label = jax.random.randint(k3, (BATCH,), 0, VIEW_NUM, dtype=jnp.int64 if jax.config.jax_enable_x64 else jnp.int32).astype(jnp.int32)
    camera_embedding = 0.01 * jax.random.normal(k4, (CAMERA_NUM, CHANNELS), dtype=jnp.float32)
    view_embedding = 0.01 * jax.random.normal(k5, (VIEW_NUM, CHANNELS), dtype=jnp.float32)
    return {
        "x": x,
        "cam_label": cam_label,
        "view_label": view_label,
        "camera_embedding": camera_embedding,
        "view_embedding": view_embedding,
    }


def reference(x, cam_label, view_label, camera_embedding, view_embedding):
    # clamp labels to valid range (mirrors torch.clamp)
    cam_label = jnp.clip(cam_label, 0, CAMERA_NUM - 1)
    x = x + SIE_XISHU * jnp.take(camera_embedding, cam_label, axis=0)
    view_label = jnp.clip(view_label, 0, VIEW_NUM - 1)
    x = x + SIE_XISHU * jnp.take(view_embedding, view_label, axis=0)
    return x

if __name__ == "__main__":
    import jax
    _d = setup_inputs()
    print(jax.jit(kernel)(*tuple(_d.values())))

</pallas_src>

<mosaic_0001>
#map = affine_map<(d0, d1) -> (0, 0)>
module attributes {stable_mosaic.version = 14 : i64} {
  func.func @_sie_body(%arg0: i32, %arg1: i32, %arg2: memref<16384x128xf32, #tpu.memory_space<hbm>>, %arg3: memref<256x64xi32, #tpu.memory_space<hbm>>, %arg4: memref<256x64xi32, #tpu.memory_space<hbm>>, %arg5: memref<100000x128xf32, #tpu.memory_space<hbm>>, %arg6: memref<1000x128xf32, #tpu.memory_space<hbm>>, %arg7: memref<16384x128xf32, #tpu.memory_space<hbm>>, %arg8: memref<8x64xi32, #tpu.memory_space<vmem>>, %arg9: memref<8x64xi32, #tpu.memory_space<vmem>>, %arg10: memref<64x128xf32, #tpu.memory_space<vmem>>, %arg11: memref<64x128xf32, #tpu.memory_space<vmem>>, %arg12: memref<64x128xf32, #tpu.memory_space<vmem>>, %arg13: memref<64x128xf32, #tpu.memory_space<vmem>>, %arg14: memref<64x128xf32, #tpu.memory_space<vmem>>, %arg15: memref<64x128xf32, #tpu.memory_space<vmem>>, %arg16: memref<64x128xf32, #tpu.memory_space<vmem>>, %arg17: memref<64x128xf32, #tpu.memory_space<vmem>>, %arg18: memref<64x128xf32, #tpu.memory_space<vmem>>, %arg19: memref<64x128xf32, #tpu.memory_space<vmem>>, %arg20: memref<64x128xf32, #tpu.memory_space<vmem>>, %arg21: memref<64x128xf32, #tpu.memory_space<vmem>>, %arg22: memref<1000x128xf32, #tpu.memory_space<vmem_shared>>, %arg23: memref<!tpu.dma_semaphore, #tpu.memory_space<semaphore_mem>>, %arg24: memref<!tpu.dma_semaphore, #tpu.memory_space<semaphore_mem>>, %arg25: memref<!tpu.dma_semaphore, #tpu.memory_space<semaphore_mem>>, %arg26: memref<!tpu.dma_semaphore, #tpu.memory_space<semaphore_mem>>, %arg27: memref<!tpu.dma_semaphore, #tpu.memory_space<semaphore_mem>>, %arg28: memref<!tpu.dma_semaphore, #tpu.memory_space<semaphore_mem>>, %arg29: memref<!tpu.dma_semaphore, #tpu.memory_space<semaphore_mem>>, %arg30: memref<!tpu.dma_semaphore, #tpu.memory_space<semaphore_mem>>, %arg31: memref<!tpu.dma_semaphore, #tpu.memory_space<semaphore_mem>>, %arg32: memref<!tpu.dma_semaphore, #tpu.memory_space<semaphore_mem>>, %arg33: memref<!tpu.dma_semaphore, #tpu.memory_space<semaphore_mem>>, %arg34: memref<!tpu.dma_semaphore, #tpu.memory_space<semaphore_mem>>, %arg35: memref<!tpu.dma_semaphore, #tpu.memory_space<semaphore_mem>>, %arg36: memref<!tpu.dma_semaphore, #tpu.memory_space<semaphore_mem>>, %arg37: memref<!tpu.dma_semaphore, #tpu.memory_space<semaphore_mem>>, %arg38: memref<!tpu.dma_semaphore, #tpu.memory_space<semaphore_mem>>) attributes {dimension_semantics = [#tpu.dimension_semantics<core_parallel>, #tpu.dimension_semantics<subcore_parallel>], iteration_bounds = array<i64: 2, 16>, scalar_prefetch = 0 : i64, scratch_operands = 31 : i64, tpu.core_type = #tpu.core_type<sc_vector_subcore>, window_params = [{transform_indices = #map}, {transform_indices = #map}, {transform_indices = #map}, {transform_indices = #map}, {transform_indices = #map}, {transform_indices = #map}]} {
    %mul3A = arith.constant 2 : i32
    %mul3A_0 = arith.muli %arg1, %mul3A : i32
    %add3A = arith.addi %mul3A_0, %arg0 : i32
    %mul3A_1 = arith.constant 512 : i32
    %mul3A_2 = arith.muli %add3A, %mul3A_1 : i32
    %mul3A_3 = arith.constant 8 : i32
    %mul3A_4 = arith.muli %add3A, %mul3A_3 : i32
    "tpu.region"() ({
      %run_scoped3A = tpu.sem_alloc : memref<!tpu.dma_semaphore, #tpu.memory_space<semaphore_mem>>
      %dma_start3A_109 = arith.constant 0 : i32
      %dma_start3A_110 = tpu.memref_slice %arg3[%mul3A_4, %dma_start3A_109] : memref<256x64xi32, #tpu.memory_space<hbm>> -> memref<8x64xi32, #tpu.memory_space<hbm>>
      %dma_start3A_111 = arith.constant 0 : i32
      %dma_start3A_112 = tpu.memref_slice %arg3[%mul3A_4, %dma_start3A_111] : memref<256x64xi32, #tpu.memory_space<hbm>> -> memref<8x64xi32, #tpu.memory_space<hbm>>
      tpu.enqueue_dma source(%dma_start3A_112 : memref<8x64xi32, #tpu.memory_space<hbm>>) target(%arg8 : memref<8x64xi32, #tpu.memory_space<vmem>>) target_semaphore(%run_scoped3A : memref<!tpu.dma_semaphore, #tpu.memory_space<semaphore_mem>>)
      %dma_wait3A_113 = arith.constant 0 : i32
      %dma_wait3A_114 = tpu.memref_slice %arg3[%mul3A_4, %dma_wait3A_113] : memref<256x64xi32, #tpu.memory_space<hbm>> -> memref<8x64xi32, #tpu.memory_space<hbm>>
      %dma_wait3A_115 = arith.constant 0 : i32
      %dma_wait3A_116 = tpu.memref_slice %arg3[%mul3A_4, %dma_wait3A_115] : memref<256x64xi32, #tpu.memory_space<hbm>> -> memref<8x64xi32, #tpu.memory_space<hbm>>
      tpu.wait_dma2 semaphore(%run_scoped3A : memref<!tpu.dma_semaphore, #tpu.memory_space<semaphore_mem>>) src(%dma_wait3A_116 : memref<8x64xi32, #tpu.memory_space<hbm>>) dst(%arg8 : memref<8x64xi32, #tpu.memory_space<vmem>>)
      tpu.yield
    }) : () -> ()
    %mul3A_5 = arith.constant 8 : i32
    %mul3A_6 = arith.muli %add3A, %mul3A_5 : i32
    "tpu.region"() ({
      %run_scoped3A = tpu.sem_alloc : memref<!tpu.dma_semaphore, #tpu.memory_space<semaphore_mem>>
      %dma_start3A_109 = arith.constant 0 : i32
      %dma_start3A_110 = tpu.memref_slice %arg4[%mul3A_6, %dma_start3A_109] : memref<256x64xi32, #tpu.memory_space<hbm>> -> memref<8x64xi32, #tpu.memory_space<hbm>>
      %dma_start3A_111 = arith.constant 0 : i32
      %dma_start3A_112 = tpu.memref_slice %arg4[%mul3A_6, %dma_start3A_111] : memref<256x64xi32, #tpu.memory_space<hbm>> -> memref<8x64xi32, #tpu.memory_space<hbm>>
      tpu.enqueue_dma source(%dma_start3A_112 : memref<8x64xi32, #tpu.memory_space<hbm>>) target(%arg9 : memref<8x64xi32, #tpu.memory_space<vmem>>) target_semaphore(%run_scoped3A : memref<!tpu.dma_semaphore, #tpu.memory_space<semaphore_mem>>)
      %dma_wait3A_113 = arith.constant 0 : i32
      %dma_wait3A_114 = tpu.memref_slice %arg4[%mul3A_6, %dma_wait3A_113] : memref<256x64xi32, #tpu.memory_space<hbm>> -> memref<8x64xi32, #tpu.memory_space<hbm>>
      %dma_wait3A_115 = arith.constant 0 : i32
      %dma_wait3A_116 = tpu.memref_slice %arg4[%mul3A_6, %dma_wait3A_115] : memref<256x64xi32, #tpu.memory_space<hbm>> -> memref<8x64xi32, #tpu.memory_space<hbm>>
      tpu.wait_dma2 semaphore(%run_scoped3A : memref<!tpu.dma_semaphore, #tpu.memory_space<semaphore_mem>>) src(%dma_wait3A_116 : memref<8x64xi32, #tpu.memory_space<hbm>>) dst(%arg9 : memref<8x64xi32, #tpu.memory_space<vmem>>)
      tpu.yield
    }) : () -> ()
    %eq3A = arith.constant 0 : i32
    %eq3A_7 = arith.cmpi eq, %arg1, %eq3A : i32
    %convert_element_type3A = arith.extui %eq3A_7 : i1 to i32
    %cond3A = arith.constant 0 : i32
    %cond3A_8 = arith.cmpi ne, %convert_element_type3A, %cond3A : i32
    scf.if %cond3A_8 {
      "tpu.region"() ({
        %run_scoped3A = tpu.sem_alloc : memref<!tpu.dma_semaphore, #tpu.memory_space<semaphore_mem>>
        tpu.enqueue_dma source(%arg6 : memref<1000x128xf32, #tpu.memory_space<hbm>>) target(%arg22 : memref<1000x128xf32, #tpu.memory_space<vmem_shared>>) target_semaphore(%run_scoped3A : memref<!tpu.dma_semaphore, #tpu.memory_space<semaphore_mem>>)
        tpu.wait_dma2 semaphore(%run_scoped3A : memref<!tpu.dma_semaphore, #tpu.memory_space<semaphore_mem>>) src(%arg6 : memref<1000x128xf32, #tpu.memory_space<hbm>>) dst(%arg22 : memref<1000x128xf32, #tpu.memory_space<vmem_shared>>)
        tpu.yield
      }) : () -> ()
    } else {
    }
    %barrier3A = arith.constant 0 : index
    tpu.barrier barrier_id(%barrier3A)
    %add3A_9 = arith.constant 0 : i32
    %add3A_10 = arith.addi %mul3A_2, %add3A_9 : i32
    %dma_start3A = arith.constant 0 : i32
    %dma_start3A_11 = tpu.memref_slice %arg2[%add3A_10, %dma_start3A] : memref<16384x128xf32, #tpu.memory_space<hbm>> -> memref<64x128xf32, #tpu.memory_space<hbm>>
    %dma_start3A_12 = arith.constant 0 : i32
    %dma_start3A_13 = tpu.memref_slice %arg2[%add3A_10, %dma_start3A_12] : memref<16384x128xf32, #tpu.memory_space<hbm>> -> memref<64x128xf32, #tpu.memory_space<hbm>>
    tpu.enqueue_dma source(%dma_start3A_13 : memref<64x128xf32, #tpu.memory_space<hbm>>) target(%arg10 : memref<64x128xf32, #tpu.memory_space<vmem>>) target_semaphore(%arg23 : memref<!tpu.dma_semaphore, #tpu.memory_space<semaphore_mem>>)
    %dma_start3A_14 = arith.constant 0 : i32
    %dma_start3A_15 = arith.constant 0 : i32
    %dma_start3A_16 = tpu.memref_slice %arg8[%dma_start3A_14, %dma_start3A_15] : memref<8x64xi32, #tpu.memory_space<vmem>> -> memref<1x64xi32, #tpu.memory_space<vmem>>
    %dma_start3A_17 = tpu.memref_squeeze %dma_start3A_16 : memref<1x64xi32, #tpu.memory_space<vmem>> -> memref<64xi32, #tpu.memory_space<vmem>>
    %dma_start3A_18 = arith.constant 0 : i32
    %dma_start3A_19 = arith.constant 0 : i32
    %dma_start3A_20 = tpu.memref_slice %arg5[%dma_start3A_18, %dma_start3A_19] : memref<100000x128xf32, #tpu.memory_space<hbm>> -> memref<100000x128xf32, #tpu.memory_space<hbm>>
    tpu.enqueue_indirect_dma source(%dma_start3A_20 : memref<100000x128xf32, #tpu.memory_space<hbm>>) target(%arg14 : memref<64x128xf32, #tpu.memory_space<vmem>>) offsets(%dma_start3A_17 : memref<64xi32, #tpu.memory_space<vmem>>) semaphore(%arg27 : memref<!tpu.dma_semaphore, #tpu.memory_space<semaphore_mem>>)
    %dma_start3A_21 = arith.constant 0 : i32
    %dma_start3A_22 = arith.constant 0 : i32
    %dma_start3A_23 = tpu.memref_slice %arg9[%dma_start3A_21, %dma_start3A_22] : memref<8x64xi32, #tpu.memory_space<vmem>> -> memref<1x64xi32, #tpu.memory_space<vmem>>
    %dma_start3A_24 = tpu.memref_squeeze %dma_start3A_23 : memref<1x64xi32, #tpu.memory_space<vmem>> -> memref<64xi32, #tpu.memory_space<vmem>>
    %dma_start3A_25 = arith.constant 0 : i32
    %dma_start3A_26 = arith.constant 0 : i32
    %dma_start3A_27 = tpu.memref_slice %arg22[%dma_start3A_25, %dma_start3A_26] : memref<1000x128xf32, #tpu.memory_space<vmem_shared>> -> memref<1000x128xf32, #tpu.memory_space<vmem_shared>>
    tpu.enqueue_indirect_dma source(%dma_start3A_27 : memref<1000x128xf32, #tpu.memory_space<vmem_shared>>) target(%arg18 : memref<64x128xf32, #tpu.memory_space<vmem>>) offsets(%dma_start3A_24 : memref<64xi32, #tpu.memory_space<vmem>>) semaphore(%arg31 : memref<!tpu.dma_semaphore, #tpu.memory_space<semaphore_mem>>)
    %add3A_28 = arith.constant 64 : i32
    %add3A_29 = arith.addi %mul3A_2, %add3A_28 : i32
    %dma_start3A_30 = arith.constant 0 : i32
    %dma_start3A_31 = tpu.memref_slice %arg2[%add3A_29, %dma_start3A_30] : memref<16384x128xf32, #tpu.memory_space<hbm>> -> memref<64x128xf32, #tpu.memory_space<hbm>>
    %dma_start3A_32 = arith.constant 0 : i32
    %dma_start3A_33 = tpu.memref_slice %arg2[%add3A_29, %dma_start3A_32] : memref<16384x128xf32, #tpu.memory_space<hbm>> -> memref<64x128xf32, #tpu.memory_space<hbm>>
    tpu.enqueue_dma source(%dma_start3A_33 : memref<64x128xf32, #tpu.memory_space<hbm>>) target(%arg11 : memref<64x128xf32, #tpu.memory_space<vmem>>) target_semaphore(%arg24 : memref<!tpu.dma_semaphore, #tpu.memory_space<semaphore_mem>>)
    %dma_start3A_34 = arith.constant 1 : i32
    %dma_start3A_35 = arith.constant 0 : i32
    %dma_start3A_36 = tpu.memref_slice %arg8[%dma_start3A_34, %dma_start3A_35] : memref<8x64xi32, #tpu.memory_space<vmem>> -> memref<1x64xi32, #tpu.memory_space<vmem>>
    %dma_start3A_37 = tpu.memref_squeeze %dma_start3A_36 : memref<1x64xi32, #tpu.memory_space<vmem>> -> memref<64xi32, #tpu.memory_space<vmem>>
    %dma_start3A_38 = arith.constant 0 : i32
    %dma_start3A_39 = arith.constant 0 : i32
    %dma_start3A_40 = tpu.memref_slice %arg5[%dma_start3A_38, %dma_start3A_39] : memref<100000x128xf32, #tpu.memory_space<hbm>> -> memref<100000x128xf32, #tpu.memory_space<hbm>>
    tpu.enqueue_indirect_dma source(%dma_start3A_40 : memref<100000x128xf32, #tpu.memory_space<hbm>>) target(%arg15 : memref<64x128xf32, #tpu.memory_space<vmem>>) offsets(%dma_start3A_37 : memref<64xi32, #tpu.memory_space<vmem>>) semaphore(%arg28 : memref<!tpu.dma_semaphore, #tpu.memory_space<semaphore_mem>>)
    %dma_start3A_41 = arith.constant 1 : i32
    %dma_start3A_42 = arith.constant 0 : i32
    %dma_start3A_43 = tpu.memref_slice %arg9[%dma_start3A_41, %dma_start3A_42] : memref<8x64xi32, #tpu.memory_space<vmem>> -> memref<1x64xi32, #tpu.memory_space<vmem>>
    %dma_start3A_44 = tpu.memref_squeeze %dma_start3A_43 : memref<1x64xi32, #tpu.memory_space<vmem>> -> memref<64xi32, #tpu.memory_space<vmem>>
    %dma_start3A_45 = arith.constant 0 : i32
    %dma_start3A_46 = arith.constant 0 : i32
    %dma_start3A_47 = tpu.memref_slice %arg22[%dma_start3A_45, %dma_start3A_46] : memref<1000x128xf32, #tpu.memory_space<vmem_shared>> -> memref<1000x128xf32, #tpu.memory_space<vmem_shared>>
    tpu.enqueue_indirect_dma source(%dma_start3A_47 : memref<1000x128xf32, #tpu.memory_space<vmem_shared>>) target(%arg19 : memref<64x128xf32, #tpu.memory_space<vmem>>) offsets(%dma_start3A_44 : memref<64xi32, #tpu.memory_space<vmem>>) semaphore(%arg32 : memref<!tpu.dma_semaphore, #tpu.memory_space<semaphore_mem>>)
    %add3A_48 = arith.constant 128 : i32
    %add3A_49 = arith.addi %mul3A_2, %add3A_48 : i32
    %dma_start3A_50 = arith.constant 0 : i32
    %dma_start3A_51 = tpu.memref_slice %arg2[%add3A_49, %dma_start3A_50] : memref<16384x128xf32, #tpu.memory_space<hbm>> -> memref<64x128xf32, #tpu.memory_space<hbm>>
    %dma_start3A_52 = arith.constant 0 : i32
    %dma_start3A_53 = tpu.memref_slice %arg2[%add3A_49, %dma_start3A_52] : memref<16384x128xf32, #tpu.memory_space<hbm>> -> memref<64x128xf32, #tpu.memory_space<hbm>>
    tpu.enqueue_dma source(%dma_start3A_53 : memref<64x128xf32, #tpu.memory_space<hbm>>) target(%arg12 : memref<64x128xf32, #tpu.memory_space<vmem>>) target_semaphore(%arg25 : memref<!tpu.dma_semaphore, #tpu.memory_space<semaphore_mem>>)
    %dma_start3A_54 = arith.constant 2 : i32
    %dma_start3A_55 = arith.constant 0 : i32
    %dma_start3A_56 = tpu.memref_slice %arg8[%dma_start3A_54, %dma_start3A_55] : memref<8x64xi32, #tpu.memory_space<vmem>> -> memref<1x64xi32, #tpu.memory_space<vmem>>
    %dma_start3A_57 = tpu.memref_squeeze %dma_start3A_56 : memref<1x64xi32, #tpu.memory_space<vmem>> -> memref<64xi32, #tpu.memory_space<vmem>>
    %dma_start3A_58 = arith.constant 0 : i32
    %dma_start3A_59 = arith.constant 0 : i32
    %dma_start3A_60 = tpu.memref_slice %arg5[%dma_start3A_58, %dma_start3A_59] : memref<100000x128xf32, #tpu.memory_space<hbm>> -> memref<100000x128xf32, #tpu.memory_space<hbm>>
    tpu.enqueue_indirect_dma source(%dma_start3A_60 : memref<100000x128xf32, #tpu.memory_space<hbm>>) target(%arg16 : memref<64x128xf32, #tpu.memory_space<vmem>>) offsets(%dma_start3A_57 : memref<64xi32, #tpu.memory_space<vmem>>) semaphore(%arg29 : memref<!tpu.dma_semaphore, #tpu.memory_space<semaphore_mem>>)
    %dma_start3A_61 = arith.constant 2 : i32
    %dma_start3A_62 = arith.constant 0 : i32
    %dma_start3A_63 = tpu.memref_slice %arg9[%dma_start3A_61, %dma_start3A_62] : memref<8x64xi32, #tpu.memory_space<vmem>> -> memref<1x64xi32, #tpu.memory_space<vmem>>
    %dma_start3A_64 = tpu.memref_squeeze %dma_start3A_63 : memref<1x64xi32, #tpu.memory_space<vmem>> -> memref<64xi32, #tpu.memory_space<vmem>>
    %dma_start3A_65 = arith.constant 0 : i32
    %dma_start3A_66 = arith.constant 0 : i32
    %dma_start3A_67 = tpu.memref_slice %arg22[%dma_start3A_65, %dma_start3A_66] : memref<1000x128xf32, #tpu.memory_space<vmem_shared>> -> memref<1000x128xf32, #tpu.memory_space<vmem_shared>>
    tpu.enqueue_indirect_dma source(%dma_start3A_67 : memref<1000x128xf32, #tpu.memory_space<vmem_shared>>) target(%arg20 : memref<64x128xf32, #tpu.memory_space<vmem>>) offsets(%dma_start3A_64 : memref<64xi32, #tpu.memory_space<vmem>>) semaphore(%arg33 : memref<!tpu.dma_semaphore, #tpu.memory_space<semaphore_mem>>)
    %add3A_68 = arith.constant 192 : i32
    %add3A_69 = arith.addi %mul3A_2, %add3A_68 : i32
    %dma_start3A_70 = arith.constant 0 : i32
    %dma_start3A_71 = tpu.memref_slice %arg2[%add3A_69, %dma_start3A_70] : memref<16384x128xf32, #tpu.memory_space<hbm>> -> memref<64x128xf32, #tpu.memory_space<hbm>>
    %dma_start3A_72 = arith.constant 0 : i32
    %dma_start3A_73 = tpu.memref_slice %arg2[%add3A_69, %dma_start3A_72] : memref<16384x128xf32, #tpu.memory_space<hbm>> -> memref<64x128xf32, #tpu.memory_space<hbm>>
    tpu.enqueue_dma source(%dma_start3A_73 : memref<64x128xf32, #tpu.memory_space<hbm>>) target(%arg13 : memref<64x128xf32, #tpu.memory_space<vmem>>) target_semaphore(%arg26 : memref<!tpu.dma_semaphore, #tpu.memory_space<semaphore_mem>>)
    %dma_start3A_74 = arith.constant 3 : i32
    %dma_start3A_75 = arith.constant 0 : i32
    %dma_start3A_76 = tpu.memref_slice %arg8[%dma_start3A_74, %dma_start3A_75] : memref<8x64xi32, #tpu.memory_space<vmem>> -> memref<1x64xi32, #tpu.memory_space<vmem>>
    %dma_start3A_77 = tpu.memref_squeeze %dma_start3A_76 : memref<1x64xi32, #tpu.memory_space<vmem>> -> memref<64xi32, #tpu.memory_space<vmem>>
    %dma_start3A_78 = arith.constant 0 : i32
    %dma_start3A_79 = arith.constant 0 : i32
    %dma_start3A_80 = tpu.memref_slice %arg5[%dma_start3A_78, %dma_start3A_79] : memref<100000x128xf32, #tpu.memory_space<hbm>> -> memref<100000x128xf32, #tpu.memory_space<hbm>>
    tpu.enqueue_indirect_dma source(%dma_start3A_80 : memref<100000x128xf32, #tpu.memory_space<hbm>>) target(%arg17 : memref<64x128xf32, #tpu.memory_space<vmem>>) offsets(%dma_start3A_77 : memref<64xi32, #tpu.memory_space<vmem>>) semaphore(%arg30 : memref<!tpu.dma_semaphore, #tpu.memory_space<semaphore_mem>>)
    %dma_start3A_81 = arith.constant 3 : i32
    %dma_start3A_82 = arith.constant 0 : i32
    %dma_start3A_83 = tpu.memref_slice %arg9[%dma_start3A_81, %dma_start3A_82] : memref<8x64xi32, #tpu.memory_space<vmem>> -> memref<1x64xi32, #tpu.memory_space<vmem>>
    %dma_start3A_84 = tpu.memref_squeeze %dma_start3A_83 : memref<1x64xi32, #tpu.memory_space<vmem>> -> memref<64xi32, #tpu.memory_space<vmem>>
    %dma_start3A_85 = arith.constant 0 : i32
    %dma_start3A_86 = arith.constant 0 : i32
    %dma_start3A_87 = tpu.memref_slice %arg22[%dma_start3A_85, %dma_start3A_86] : memref<1000x128xf32, #tpu.memory_space<vmem_shared>> -> memref<1000x128xf32, #tpu.memory_space<vmem_shared>>
    tpu.enqueue_indirect_dma source(%dma_start3A_87 : memref<1000x128xf32, #tpu.memory_space<vmem_shared>>) target(%arg21 : memref<64x128xf32, #tpu.memory_space<vmem>>) offsets(%dma_start3A_84 : memref<64xi32, #tpu.memory_space<vmem>>) semaphore(%arg34 : memref<!tpu.dma_semaphore, #tpu.memory_space<semaphore_mem>>)
    %scan3A = arith.constant 0 : i32
    %scan3A_88 = arith.constant 0 : i32
    %scan3A_89 = arith.constant 2 : i32
    %scan3A_90 = arith.addi %scan3A_88, %scan3A_89 : i32
    %scan3A_91 = arith.constant 1 : i32
    %scan3A_92 = scf.for %scan3A_109 = %scan3A_88 to %scan3A_90 step %scan3A_91 iter_args(%scan3A_110 = %scan3A) -> (i32)  : i32 {
      %mul3A_111 = arith.constant 4 : i32
      %mul3A_112 = arith.muli %mul3A_111, %scan3A_109 : i32
      %dma_wait3A_113 = arith.constant 0 : i32
      %dma_wait3A_114 = tpu.memref_slice %arg2[%mul3A_2, %dma_wait3A_113] : memref<16384x128xf32, #tpu.memory_space<hbm>> -> memref<64x128xf32, #tpu.memory_space<hbm>>
      %dma_wait3A_115 = arith.constant 0 : i32
      %dma_wait3A_116 = tpu.memref_slice %arg2[%mul3A_2, %dma_wait3A_115] : memref<16384x128xf32, #tpu.memory_space<hbm>> -> memref<64x128xf32, #tpu.memory_space<hbm>>
      tpu.wait_dma2 semaphore(%arg23 : memref<!tpu.dma_semaphore, #tpu.memory_space<semaphore_mem>>) src(%dma_wait3A_116 : memref<64x128xf32, #tpu.memory_space<hbm>>) dst(%arg10 : memref<64x128xf32, #tpu.memory_space<vmem>>)
      %dma_wait3A_117 = arith.constant 0 : i32
      %dma_wait3A_118 = arith.constant 0 : i32
      %dma_wait3A_119 = tpu.memref_slice %arg8[%dma_wait3A_117, %dma_wait3A_118] : memref<8x64xi32, #tpu.memory_space<vmem>> -> memref<1x64xi32, #tpu.memory_space<vmem>>
      %dma_wait3A_120 = tpu.memref_squeeze %dma_wait3A_119 : memref<1x64xi32, #tpu.memory_space<vmem>> -> memref<64xi32, #tpu.memory_space<vmem>>
      %dma_wait3A_121 = arith.constant 0 : i32
      %dma_wait3A_122 = arith.constant 0 : i32
      %dma_wait3A_123 = tpu.memref_slice %arg5[%dma_wait3A_121, %dma_wait3A_122] : memref<100000x128xf32, #tpu.memory_space<hbm>> -> memref<100000x128xf32, #tpu.memory_space<hbm>>
      tpu.wait_indirect_dma semaphore(%arg27 : memref<!tpu.dma_semaphore, #tpu.memory_space<semaphore_mem>>) src(%dma_wait3A_123 : memref<100000x128xf32, #tpu.memory_space<hbm>>) dst(%arg14 : memref<64x128xf32, #tpu.memory_space<vmem>>)
      %dma_wait3A_124 = arith.constant 0 : i32
      %dma_wait3A_125 = arith.constant 0 : i32
      %dma_wait3A_126 = tpu.memref_slice %arg9[%dma_wait3A_124, %dma_wait3A_125] : memref<8x64xi32, #tpu.memory_space<vmem>> -> memref<1x64xi32, #tpu.memory_space<vmem>>
      %dma_wait3A_127 = tpu.memref_squeeze %dma_wait3A_126 : memref<1x64xi32, #tpu.memory_space<vmem>> -> memref<64xi32, #tpu.memory_space<vmem>>
      %dma_wait3A_128 = arith.constant 0 : i32
      %dma_wait3A_129 = arith.constant 0 : i32
      %dma_wait3A_130 = tpu.memref_slice %arg22[%dma_wait3A_128, %dma_wait3A_129] : memref<1000x128xf32, #tpu.memory_space<vmem_shared>> -> memref<1000x128xf32, #tpu.memory_space<vmem_shared>>
      tpu.wait_indirect_dma semaphore(%arg31 : memref<!tpu.dma_semaphore, #tpu.memory_space<semaphore_mem>>) src(%dma_wait3A_130 : memref<1000x128xf32, #tpu.memory_space<vmem_shared>>) dst(%arg18 : memref<64x128xf32, #tpu.memory_space<vmem>>)
      %parallel_loop3A = arith.constant 0 : i32
      %parallel_loop3A_131 = arith.constant 64 : i32
      %parallel_loop3A_132 = arith.constant 1 : i32
      scf.for %parallel_loop3A_252 = %parallel_loop3A to %parallel_loop3A_131 step %parallel_loop3A_132  : i32 {
        %parallel_loop3A_253 = arith.index_cast %parallel_loop3A_252 : i32 to index
        %parallel_loop3A_254 = arith.constant 0 : index
        %parallel_loop3A_255 = tpu.vector_load %arg14[%parallel_loop3A_253, %parallel_loop3A_254] {strides = array<i32>} : memref<64x128xf32, #tpu.memory_space<vmem>>, vector<1x16xf32>,
        %parallel_loop3A_256 = vector.shape_cast %parallel_loop3A_255 : vector<1x16xf32> to vector<16xf32>
        %parallel_loop3A_257 = arith.index_cast %parallel_loop3A_252 : i32 to index
        %parallel_loop3A_258 = arith.constant 0 : index
        %parallel_loop3A_259 = tpu.vector_load %arg18[%parallel_loop3A_257, %parallel_loop3A_258] {strides = array<i32>} : memref<64x128xf32, #tpu.memory_space<vmem>>, vector<1x16xf32>,
        %parallel_loop3A_260 = vector.shape_cast %parallel_loop3A_259 : vector<1x16xf32> to vector<16xf32>
        %parallel_loop3A_261 = arith.addf %parallel_loop3A_256, %parallel_loop3A_260 : vector<16xf32>
        %parallel_loop3A_262 = arith.index_cast %parallel_loop3A_252 : i32 to index
        %parallel_loop3A_263 = arith.constant 0 : index
        %parallel_loop3A_264 = tpu.vector_load %arg10[%parallel_loop3A_262, %parallel_loop3A_263] {strides = array<i32>} : memref<64x128xf32, #tpu.memory_space<vmem>>, vector<1x16xf32>,
        %parallel_loop3A_265 = vector.shape_cast %parallel_loop3A_264 : vector<1x16xf32> to vector<16xf32>
        %parallel_loop3A_266 = vector.shape_cast %parallel_loop3A_261 : vector<16xf32> to vector<1x16xf32>
        tpu.vector_store %arg10[%parallel_loop3A_262, %parallel_loop3A_263], %parallel_loop3A_266 {add = true, strides = array<i32>} : memref<64x128xf32, #tpu.memory_space<vmem>>, vector<1x16xf32>,
        %parallel_loop3A_267 = arith.index_cast %parallel_loop3A_252 : i32 to index
        %parallel_loop3A_268 = arith.constant 16 : index
        %parallel_loop3A_269 = tpu.vector_load %arg14[%parallel_loop3A_267, %parallel_loop3A_268] {strides = array<i32>} : memref<64x128xf32, #tpu.memory_space<vmem>>, vector<1x16xf32>,
        %parallel_loop3A_270 = vector.shape_cast %parallel_loop3A_269 : vector<1x16xf32> to vector<16xf32>
        %parallel_loop3A_271 = arith.index_cast %parallel_loop3A_252 : i32 to index
        %parallel_loop3A_272 = arith.constant 16 : index
        %parallel_loop3A_273 = tpu.vector_load %arg18[%parallel_loop3A_271, %parallel_loop3A_272] {strides = array<i32>} : memref<64x128xf32, #tpu.memory_space<vmem>>, vector<1x16xf32>,
        %parallel_loop3A_274 = vector.shape_cast %parallel_loop3A_273 : vector<1x16xf32> to vector<16xf32>
        %parallel_loop3A_275 = arith.addf %parallel_loop3A_270, %parallel_loop3A_274 : vector<16xf32>
        %parallel_loop3A_276 = arith.index_cast %parallel_loop3A_252 : i32 to index
        %parallel_loop3A_277 = arith.constant 16 : index
        %parallel_loop3A_278 = tpu.vector_load %arg10[%parallel_loop3A_276, %parallel_loop3A_277] {strides = array<i32>} : memref<64x128xf32, #tpu.memory_space<vmem>>, vector<1x16xf32>,
        %parallel_loop3A_279 = vector.shape_cast %parallel_loop3A_278 : vector<1x16xf32> to vector<16xf32>
        %parallel_loop3A_280 = vector.shape_cast %parallel_loop3A_275 : vector<16xf32> to vector<1x16xf32>
        tpu.vector_store %arg10[%parallel_loop3A_276, %parallel_loop3A_277], %parallel_loop3A_280 {add = true, strides = array<i32>} : memref<64x128xf32, #tpu.memory_space<vmem>>, vector<1x16xf32>,
        %parallel_loop3A_281 = arith.index_cast %parallel_loop3A_252 : i32 to index
        %parallel_loop3A_282 = arith.constant 32 : index
        %parallel_loop3A_283 = tpu.vector_load %arg14[%parallel_loop3A_281, %parallel_loop3A_282] {strides = array<i32>} : memref<64x128xf32, #tpu.memory_space<vmem>>, vector<1x16xf32>,
        %parallel_loop3A_284 = vector.shape_cast %parallel_loop3A_283 : vector<1x16xf32> to vector<16xf32>
        %parallel_loop3A_285 = arith.index_cast %parallel_loop3A_252 : i32 to index
        %parallel_loop3A_286 = arith.constant 32 : index
        %parallel_loop3A_287 = tpu.vector_load %arg18[%parallel_loop3A_285, %parallel_loop3A_286] {strides = array<i32>} : memref<64x128xf32, #tpu.memory_space<vmem>>, vector<1x16xf32>,
        %parallel_loop3A_288 = vector.shape_cast %parallel_loop3A_287 : vector<1x16xf32> to vector<16xf32>
        %parallel_loop3A_289 = arith.addf %parallel_loop3A_284, %parallel_loop3A_288 : vector<16xf32>
        %parallel_loop3A_290 = arith.index_cast %parallel_loop3A_252 : i32 to index
        %parallel_loop3A_291 = arith.constant 32 : index
        %parallel_loop3A_292 = tpu.vector_load %arg10[%parallel_loop3A_290, %parallel_loop3A_291] {strides = array<i32>} : memref<64x128xf32, #tpu.memory_space<vmem>>, vector<1x16xf32>,
        %parallel_loop3A_293 = vector.shape_cast %parallel_loop3A_292 : vector<1x16xf32> to vector<16xf32>
        %parallel_loop3A_294 = vector.shape_cast %parallel_loop3A_289 : vector<16xf32> to vector<1x16xf32>
        tpu.vector_store %arg10[%parallel_loop3A_290, %parallel_loop3A_291], %parallel_loop3A_294 {add = true, strides = array<i32>} : memref<64x128xf32, #tpu.memory_space<vmem>>, vector<1x16xf32>,
        %parallel_loop3A_295 = arith.index_cast %parallel_loop3A_252 : i32 to index
        %parallel_loop3A_296 = arith.constant 48 : index
        %parallel_loop3A_297 = tpu.vector_load %arg14[%parallel_loop3A_295, %parallel_loop3A_296] {strides = array<i32>} : memref<64x128xf32, #tpu.memory_space<vmem>>, vector<1x16xf32>,
        %parallel_loop3A_298 = vector.shape_cast %parallel_loop3A_297 : vector<1x16xf32> to vector<16xf32>
        %parallel_loop3A_299 = arith.index_cast %parallel_loop3A_252 : i32 to index
        %parallel_loop3A_300 = arith.constant 48 : index
        %parallel_loop3A_301 = tpu.vector_load %arg18[%parallel_loop3A_299, %parallel_loop3A_300] {strides = array<i32>} : memref<64x128xf32, #tpu.memory_space<vmem>>, vector<1x16xf32>,
        %parallel_loop3A_302 = vector.shape_cast %parallel_loop3A_301 : vector<1x16xf32> to vector<16xf32>
        %parallel_loop3A_303 = arith.addf %parallel_loop3A_298, %parallel_loop3A_302 : vector<16xf32>
        %parallel_loop3A_304 = arith.index_cast %parallel_loop3A_252 : i32 to index
        %parallel_loop3A_305 = arith.constant 48 : index
        %parallel_loop3A_306 = tpu.vector_load %arg10[%parallel_loop3A_304, %parallel_loop3A_305] {strides = array<i32>} : memref<64x128xf32, #tpu.memory_space<vmem>>, vector<1x16xf32>,
        %parallel_loop3A_307 = vector.shape_cast %parallel_loop3A_306 : vector<1x16xf32> to vector<16xf32>
        %parallel_loop3A_308 = vector.shape_cast %parallel_loop3A_303 : vector<16xf32> to vector<1x16xf32>
        tpu.vector_store %arg10[%parallel_loop3A_304, %parallel_loop3A_305], %parallel_loop3A_308 {add = true, strides = array<i32>} : memref<64x128xf32, #tpu.memory_space<vmem>>, vector<1x16xf32>,
        %parallel_loop3A_309 = arith.index_cast %parallel_loop3A_252 : i32 to index
        %parallel_loop3A_310 = arith.constant 64 : index
        %parallel_loop3A_311 = tpu.vector_load %arg14[%parallel_loop3A_309, %parallel_loop3A_310] {strides = array<i32>} : memref<64x128xf32, #tpu.memory_space<vmem>>, vector<1x16xf32>,
        %parallel_loop3A_312 = vector.shape_cast %parallel_loop3A_311 : vector<1x16xf32> to vector<16xf32>
        %parallel_loop3A_313 = arith.index_cast %parallel_loop3A_252 : i32 to index
        %parallel_loop3A_314 = arith.constant 64 : index
        %parallel_loop3A_315 = tpu.vector_load %arg18[%parallel_loop3A_313, %parallel_loop3A_314] {strides = array<i32>} : memref<64x128xf32, #tpu.memory_space<vmem>>, vector<1x16xf32>,
        %parallel_loop3A_316 = vector.shape_cast %parallel_loop3A_315 : vector<1x16xf32> to vector<16xf32>
        %parallel_loop3A_317 = arith.addf %parallel_loop3A_312, %parallel_loop3A_316 : vector<16xf32>
        %parallel_loop3A_318 = arith.index_cast %parallel_loop3A_252 : i32 to index
        %parallel_loop3A_319 = arith.constant 64 : index
        %parallel_loop3A_320 = tpu.vector_load %arg10[%parallel_loop3A_318, %parallel_loop3A_319] {strides = array<i32>} : memref<64x128xf32, #tpu.memory_space<vmem>>, vector<1x16xf32>,
        %parallel_loop3A_321 = vector.shape_cast %parallel_loop3A_320 : vector<1x16xf32> to vector<16xf32>
        %parallel_loop3A_322 = vector.shape_cast %parallel_loop3A_317 : vector<16xf32> to vector<1x16xf32>
        tpu.vector_store %arg10[%parallel_loop3A_318, %parallel_loop3A_319], %parallel_loop3A_322 {add = true, strides = array<i32>} : memref<64x128xf32, #tpu.memory_space<vmem>>, vector<1x16xf32>,
        %parallel_loop3A_323 = arith.index_cast %parallel_loop3A_252 : i32 to index
        %parallel_loop3A_324 = arith.constant 80 : index
        %parallel_loop3A_325 = tpu.vector_load %arg14[%parallel_loop3A_323, %parallel_loop3A_324] {strides = array<i32>} : memref<64x128xf32, #tpu.memory_space<vmem>>, vector<1x16xf32>,
        %parallel_loop3A_326 = vector.shape_cast %parallel_loop3A_325 : vector<1x16xf32> to vector<16xf32>
        %parallel_loop3A_327 = arith.index_cast %parallel_loop3A_252 : i32 to index
        %parallel_loop3A_328 = arith.constant 80 : index
        %parallel_loop3A_329 = tpu.vector_load %arg18[%parallel_loop3A_327, %parallel_loop3A_328] {strides = array<i32>} : memref<64x128xf32, #tpu.memory_space<vmem>>, vector<1x16xf32>,
        %parallel_loop3A_330 = vector.shape_cast %parallel_loop3A_329 : vector<1x16xf32> to vector<16xf32>
        %parallel_loop3A_331 = arith.addf %parallel_loop3A_326, %parallel_loop3A_330 : vector<16xf32>
        %parallel_loop3A_332 = arith.index_cast %parallel_loop3A_252 : i32 to index
        %parallel_loop3A_333 = arith.constant 80 : index
        %parallel_loop3A_334 = tpu.vector_load %arg10[%parallel_loop3A_332, %parallel_loop3A_333] {strides = array<i32>} : memref<64x128xf32, #tpu.memory_space<vmem>>, vector<1x16xf32>,
        %parallel_loop3A_335 = vector.shape_cast %parallel_loop3A_334 : vector<1x16xf32> to vector<16xf32>
        %parallel_loop3A_336 = vector.shape_cast %parallel_loop3A_331 : vector<16xf32> to vector<1x16xf32>
        tpu.vector_store %arg10[%parallel_loop3A_332, %parallel_loop3A_333], %parallel_loop3A_336 {add = true, strides = array<i32>} : memref<64x128xf32, #tpu.memory_space<vmem>>, vector<1x16xf32>,
        %parallel_loop3A_337 = arith.index_cast %parallel_loop3A_252 : i32 to index
        %parallel_loop3A_338 = arith.constant 96 : index
        %parallel_loop3A_339 = tpu.vector_load %arg14[%parallel_loop3A_337, %parallel_loop3A_338] {strides = array<i32>} : memref<64x128xf32, #tpu.memory_space<vmem>>, vector<1x16xf32>,
        %parallel_loop3A_340 = vector.shape_cast %parallel_loop3A_339 : vector<1x16xf32> to vector<16xf32>
        %parallel_loop3A_341 = arith.index_cast %parallel_loop3A_252 : i32 to index
        %parallel_loop3A_342 = arith.constant 96 : index
        %parallel_loop3A_343 = tpu.vector_load %arg18[%parallel_loop3A_341, %parallel_loop3A_342] {strides = array<i32>} : memref<64x128xf32, #tpu.memory_space<vmem>>, vector<1x16xf32>,
        %parallel_loop3A_344 = vector.shape_cast %parallel_loop3A_343 : vector<1x16xf32> to vector<16xf32>
        %parallel_loop3A_345 = arith.addf %parallel_loop3A_340, %parallel_loop3A_344 : vector<16xf32>
        %parallel_loop3A_346 = arith.index_cast %parallel_loop3A_252 : i32 to index
        %parallel_loop3A_347 = arith.constant 96 : index
        %parallel_loop3A_348 = tpu.vector_load %arg10[%parallel_loop3A_346, %parallel_loop3A_347] {strides = array<i32>} : memref<64x128xf32, #tpu.memory_space<vmem>>, vector<1x16xf32>,
        %parallel_loop3A_349 = vector.shape_cast %parallel_loop3A_348 : vector<1x16xf32> to vector<16xf32>
        %parallel_loop3A_350 = vector.shape_cast %parallel_loop3A_345 : vector<16xf32> to vector<1x16xf32>
        tpu.vector_store %arg10[%parallel_loop3A_346, %parallel_loop3A_347], %parallel_loop3A_350 {add = true, strides = array<i32>} : memref<64x128xf32, #tpu.memory_space<vmem>>, vector<1x16xf32>,
        %parallel_loop3A_351 = arith.index_cast %parallel_loop3A_252 : i32 to index
        %parallel_loop3A_352 = arith.constant 112 : index
        %parallel_loop3A_353 = tpu.vector_load %arg14[%parallel_loop3A_351, %parallel_loop3A_352] {strides = array<i32>} : memref<64x128xf32, #tpu.memory_space<vmem>>, vector<1x16xf32>,
        %parallel_loop3A_354 = vector.shape_cast %parallel_loop3A_353 : vector<1x16xf32> to vector<16xf32>
        %parallel_loop3A_355 = arith.index_cast %parallel_loop3A_252 : i32 to index
        %parallel_loop3A_356 = arith.constant 112 : index
        %parallel_loop3A_357 = tpu.vector_load %arg18[%parallel_loop3A_355, %parallel_loop3A_356] {strides = array<i32>} : memref<64x128xf32, #tpu.memory_space<vmem>>, vector<1x16xf32>,
        %parallel_loop3A_358 = vector.shape_cast %parallel_loop3A_357 : vector<1x16xf32> to vector<16xf32>
        %parallel_loop3A_359 = arith.addf %parallel_loop3A_354, %parallel_loop3A_358 : vector<16xf32>
        %parallel_loop3A_360 = arith.index_cast %parallel_loop3A_252 : i32 to index
        %parallel_loop3A_361 = arith.constant 112 : index
        %parallel_loop3A_362 = tpu.vector_load %arg10[%parallel_loop3A_360, %parallel_loop3A_361] {strides = array<i32>} : memref<64x128xf32, #tpu.memory_space<vmem>>, vector<1x16xf32>,
        %parallel_loop3A_363 = vector.shape_cast %parallel_loop3A_362 : vector<1x16xf32> to vector<16xf32>
        %parallel_loop3A_364 = vector.shape_cast %parallel_loop3A_359 : vector<16xf32> to vector<1x16xf32>
        tpu.vector_store %arg10[%parallel_loop3A_360, %parallel_loop3A_361], %parallel_loop3A_364 {add = true, strides = array<i32>} : memref<64x128xf32, #tpu.memory_space<vmem>>, vector<1x16xf32>,
      } {sc.loop_unroll_factor = 1 : i64, sc.parallel_access}
      %add3A_133 = arith.constant 0 : i32
      %add3A_134 = arith.addi %mul3A_112, %add3A_133 : i32
      %mul3A_135 = arith.constant 64 : i32
      %mul3A_136 = arith.muli %add3A_134, %mul3A_135 : i32
      %add3A_137 = arith.addi %mul3A_2, %mul3A_136 : i32
      %dma_start3A_138 = arith.constant 0 : i32
      %dma_start3A_139 = tpu.memref_slice %arg7[%add3A_137, %dma_start3A_138] : memref<16384x128xf32, #tpu.memory_space<hbm>> -> memref<64x128xf32, #tpu.memory_space<hbm>>
      %dma_start3A_140 = arith.constant 0 : i32
      %dma_start3A_141 = tpu.memref_slice %arg7[%add3A_137, %dma_start3A_140] : memref<16384x128xf32, #tpu.memory_space<hbm>> -> memref<64x128xf32, #tpu.memory_space<hbm>>
      tpu.enqueue_dma source(%arg10 : memref<64x128xf32, #tpu.memory_space<vmem>>) target(%dma_start3A_141 : memref<64x128xf32, #tpu.memory_space<hbm>>) target_semaphore(%arg35 : memref<!tpu.dma_semaphore, #tpu.memory_space<semaphore_mem>>)
      %dma_wait3A_142 = arith.constant 0 : i32
      %dma_wait3A_143 = tpu.memref_slice %arg2[%mul3A_2, %dma_wait3A_142] : memref<16384x128xf32, #tpu.memory_space<hbm>> -> memref<64x128xf32, #tpu.memory_space<hbm>>
      %dma_wait3A_144 = arith.constant 0 : i32
      %dma_wait3A_145 = tpu.memref_slice %arg2[%mul3A_2, %dma_wait3A_144] : memref<16384x128xf32, #tpu.memory_space<hbm>> -> memref<64x128xf32, #tpu.memory_space<hbm>>
      tpu.wait_dma2 semaphore(%arg24 : memref<!tpu.dma_semaphore, #tpu.memory_space<semaphore_mem>>) src(%dma_wait3A_145 : memref<64x128xf32, #tpu.memory_space<hbm>>) dst(%arg11 : memref<64x128xf32, #tpu.memory_space<vmem>>)
      %dma_wait3A_146 = arith.constant 0 : i32
      %dma_wait3A_147 = arith.constant 0 : i32
      %dma_wait3A_148 = tpu.memref_slice %arg8[%dma_wait3A_146, %dma_wait3A_147] : memref<8x64xi32, #tpu.memory_space<vmem>> -> memref<1x64xi32, #tpu.memory_space<vmem>>
      %dma_wait3A_149 = tpu.memref_squeeze %dma_wait3A_148 : memref<1x64xi32, #tpu.memory_space<vmem>> -> memref<64xi32, #tpu.memory_space<vmem>>
      %dma_wait3A_150 = arith.constant 0 : i32
      %dma_wait3A_151 = arith.constant 0 : i32
      %dma_wait3A_152 = tpu.memref_slice %arg5[%dma_wait3A_150, %dma_wait3A_151] : memref<100000x128xf32, #tpu.memory_space<hbm>> -> memref<100000x128xf32, #tpu.memory_space<hbm>>
      tpu.wait_indirect_dma semaphore(%arg28 : memref<!tpu.dma_semaphore, #tpu.memory_space<semaphore_mem>>) src(%dma_wait3A_152 : memref<100000x128xf32, #tpu.memory_space<hbm>>) dst(%arg15 : memref<64x128xf32, #tpu.memory_space<vmem>>)
      %dma_wait3A_153 = arith.constant 0 : i32
      %dma_wait3A_154 = arith.constant 0 : i32
      %dma_wait3A_155 = tpu.memref_slice %arg9[%dma_wait3A_153, %dma_wait3A_154] : memref<8x64xi32, #tpu.memory_space<vmem>> -> memref<1x64xi32, #tpu.memory_space<vmem>>
      %dma_wait3A_156 = tpu.memref_squeeze %dma_wait3A_155 : memref<1x64xi32, #tpu.memory_space<vmem>> -> memref<64xi32, #tpu.memory_space<vmem>>
      %dma_wait3A_157 = arith.constant 0 : i32
      %dma_wait3A_158 = arith.constant 0 : i32
      %dma_wait3A_159 = tpu.memref_slice %arg22[%dma_wait3A_157, %dma_wait3A_158] : memref<1000x128xf32, #tpu.memory_space<vmem_shared>> -> memref<1000x128xf32, #tpu.memory_space<vmem_shared>>
      tpu.wait_indirect_dma semaphore(%arg32 : memref<!tpu.dma_semaphore, #tpu.memory_space<semaphore_mem>>) src(%dma_wait3A_159 : memref<1000x128xf32, #tpu.memory_space<vmem_shared>>) dst(%arg19 : memref<64x128xf32, #tpu.memory_space<vmem>>)
      %parallel_loop3A_160 = arith.constant 0 : i32
      %parallel_loop3A_161 = arith.constant 64 : i32
      %parallel_loop3A_162 = arith.constant 1 : i32
      scf.for %parallel_loop3A_252 = %parallel_loop3A_160 to %parallel_loop3A_161 step %parallel_loop3A_162  : i32 {
        %parallel_loop3A_253 = arith.index_cast %parallel_loop3A_252 : i32 to index
        %parallel_loop3A_254 = arith.constant 0 : index
        %parallel_loop3A_255 = tpu.vector_load %arg15[%parallel_loop3A_253, %parallel_loop3A_254] {strides = array<i32>} : memref<64x128xf32, #tpu.memory_space<vmem>>, vector<1x16xf32>,
        %parallel_loop3A_256 = vector.shape_cast %parallel_loop3A_255 : vector<1x16xf32> to vector<16xf32>
        %parallel_loop3A_257 = arith.index_cast %parallel_loop3A_252 : i32 to index
        %parallel_loop3A_258 = arith.constant 0 : index
        %parallel_loop3A_259 = tpu.vector_load %arg19[%parallel_loop3A_257, %parallel_loop3A_258] {strides = array<i32>} : memref<64x128xf32, #tpu.memory_space<vmem>>, vector<1x16xf32>,
        %parallel_loop3A_260 = vector.shape_cast %parallel_loop3A_259 : vector<1x16xf32> to vector<16xf32>
        %parallel_loop3A_261 = arith.addf %parallel_loop3A_256, %parallel_loop3A_260 : vector<16xf32>
        %parallel_loop3A_262 = arith.index_cast %parallel_loop3A_252 : i32 to index
        %parallel_loop3A_263 = arith.constant 0 : index
        %parallel_loop3A_264 = tpu.vector_load %arg11[%parallel_loop3A_262, %parallel_loop3A_263] {strides = array<i32>} : memref<64x128xf32, #tpu.memory_space<vmem>>, vector<1x16xf32>,
        %parallel_loop3A_265 = vector.shape_cast %parallel_loop3A_264 : vector<1x16xf32> to vector<16xf32>
        %parallel_loop3A_266 = vector.shape_cast %parallel_loop3A_261 : vector<16xf32> to vector<1x16xf32>
        tpu.vector_store %arg11[%parallel_loop3A_262, %parallel_loop3A_263], %parallel_loop3A_266 {add = true, strides = array<i32>} : memref<64x128xf32, #tpu.memory_space<vmem>>, vector<1x16xf32>,
        %parallel_loop3A_267 = arith.index_cast %parallel_loop3A_252 : i32 to index
        %parallel_loop3A_268 = arith.constant 16 : index
        %parallel_loop3A_269 = tpu.vector_load %arg15[%parallel_loop3A_267, %parallel_loop3A_268] {strides = array<i32>} : memref<64x128xf32, #tpu.memory_space<vmem>>, vector<1x16xf32>,
        %parallel_loop3A_270 = vector.shape_cast %parallel_loop3A_269 : vector<1x16xf32> to vector<16xf32>
        %parallel_loop3A_271 = arith.index_cast %parallel_loop3A_252 : i32 to index
        %parallel_loop3A_272 = arith.constant 16 : index
        %parallel_loop3A_273 = tpu.vector_load %arg19[%parallel_loop3A_271, %parallel_loop3A_272] {strides = array<i32>} : memref<64x128xf32, #tpu.memory_space<vmem>>, vector<1x16xf32>,
        %parallel_loop3A_274 = vector.shape_cast %parallel_loop3A_273 : vector<1x16xf32> to vector<16xf32>
        %parallel_loop3A_275 = arith.addf %parallel_loop3A_270, %parallel_loop3A_274 : vector<16xf32>
        %parallel_loop3A_276 = arith.index_cast %parallel_loop3A_252 : i32 to index
        %parallel_loop3A_277 = arith.constant 16 : index
        %parallel_loop3A_278 = tpu.vector_load %arg11[%parallel_loop3A_276, %parallel_loop3A_277] {strides = array<i32>} : memref<64x128xf32, #tpu.memory_space<vmem>>, vector<1x16xf32>,
        %parallel_loop3A_279 = vector.shape_cast %parallel_loop3A_278 : vector<1x16xf32> to vector<16xf32>
        %parallel_loop3A_280 = vector.shape_cast %parallel_loop3A_275 : vector<16xf32> to vector<1x16xf32>
        tpu.vector_store %arg11[%parallel_loop3A_276, %parallel_loop3A_277], %parallel_loop3A_280 {add = true, strides = array<i32>} : memref<64x128xf32, #tpu.memory_space<vmem>>, vector<1x16xf32>,
        %parallel_loop3A_281 = arith.index_cast %parallel_loop3A_252 : i32 to index
        %parallel_loop3A_282 = arith.constant 32 : index
        %parallel_loop3A_283 = tpu.vector_load %arg15[%parallel_loop3A_281, %parallel_loop3A_282] {strides = array<i32>} : memref<64x128xf32, #tpu.memory_space<vmem>>, vector<1x16xf32>,
        %parallel_loop3A_284 = vector.shape_cast %parallel_loop3A_283 : vector<1x16xf32> to vector<16xf32>
        %parallel_loop3A_285 = arith.index_cast %parallel_loop3A_252 : i32 to index
        %parallel_loop3A_286 = arith.constant 32 : index
        %parallel_loop3A_287 = tpu.vector_load %arg19[%parallel_loop3A_285, %parallel_loop3A_286] {strides = array<i32>} : memref<64x128xf32, #tpu.memory_space<vmem>>, vector<1x16xf32>,
        %parallel_loop3A_288 = vector.shape_cast %parallel_loop3A_287 : vector<1x16xf32> to vector<16xf32>
        %parallel_loop3A_289 = arith.addf %parallel_loop3A_284, %parallel_loop3A_288 : vector<16xf32>
        %parallel_loop3A_290 = arith.index_cast %parallel_loop3A_252 : i32 to index
        %parallel_loop3A_291 = arith.constant 32 : index
        %parallel_loop3A_292 = tpu.vector_load %arg11[%parallel_loop3A_290, %parallel_loop3A_291] {strides = array<i32>} : memref<64x128xf32, #tpu.memory_space<vmem>>, vector<1x16xf32>,
        %parallel_loop3A_293 = vector.shape_cast %parallel_loop3A_292 : vector<1x16xf32> to vector<16xf32>
        %parallel_loop3A_294 = vector.shape_cast %parallel_loop3A_289 : vector<16xf32> to vector<1x16xf32>
        tpu.vector_store %arg11[%parallel_loop3A_290, %parallel_loop3A_291], %parallel_loop3A_294 {add = true, strides = array<i32>} : memref<64x128xf32, #tpu.memory_space<vmem>>, vector<1x16xf32>,
        %parallel_loop3A_295 = arith.index_cast %parallel_loop3A_252 : i32 to index
        %parallel_loop3A_296 = arith.constant 48 : index
        %parallel_loop3A_297 = tpu.vector_load %arg15[%parallel_loop3A_295, %parallel_loop3A_296] {strides = array<i32>} : memref<64x128xf32, #tpu.memory_space<vmem>>, vector<1x16xf32>,
        %parallel_loop3A_298 = vector.shape_cast %parallel_loop3A_297 : vector<1x16xf32> to vector<16xf32>
        %parallel_loop3A_299 = arith.index_cast %parallel_loop3A_252 : i32 to index
        %parallel_loop3A_300 = arith.constant 48 : index
        %parallel_loop3A_301 = tpu.vector_load %arg19[%parallel_loop3A_299, %parallel_loop3A_300] {strides = array<i32>} : memref<64x128xf32, #tpu.memory_space<vmem>>, vector<1x16xf32>,
        %parallel_loop3A_302 = vector.shape_cast %parallel_loop3A_301 : vector<1x16xf32> to vector<16xf32>
        %parallel_loop3A_303 = arith.addf %parallel_loop3A_298, %parallel_loop3A_302 : vector<16xf32>
        %parallel_loop3A_304 = arith.index_cast %parallel_loop3A_252 : i32 to index
        %parallel_loop3A_305 = arith.constant 48 : index
        %parallel_loop3A_306 = tpu.vector_load %arg11[%parallel_loop3A_304, %parallel_loop3A_305] {strides = array<i32>} : memref<64x128xf32, #tpu.memory_space<vmem>>, vector<1x16xf32>,
        %parallel_loop3A_307 = vector.shape_cast %parallel_loop3A_306 : vector<1x16xf32> to vector<16xf32>
        %parallel_loop3A_308 = vector.shape_cast %parallel_loop3A_303 : vector<16xf32> to vector<1x16xf32>
        tpu.vector_store %arg11[%parallel_loop3A_304, %parallel_loop3A_305], %parallel_loop3A_308 {add = true, strides = array<i32>} : memref<64x128xf32, #tpu.memory_space<vmem>>, vector<1x16xf32>,
        %parallel_loop3A_309 = arith.index_cast %parallel_loop3A_252 : i32 to index
        %parallel_loop3A_310 = arith.constant 64 : index
        %parallel_loop3A_311 = tpu.vector_load %arg15[%parallel_loop3A_309, %parallel_loop3A_310] {strides = array<i32>} : memref<64x128xf32, #tpu.memory_space<vmem>>, vector<1x16xf32>,
        %parallel_loop3A_312 = vector.shape_cast %parallel_loop3A_311 : vector<1x16xf32> to vector<16xf32>
        %parallel_loop3A_313 = arith.index_cast %parallel_loop3A_252 : i32 to index
        %parallel_loop3A_314 = arith.constant 64 : index
        %parallel_loop3A_315 = tpu.vector_load %arg19[%parallel_loop3A_313, %parallel_loop3A_314] {strides = array<i32>} : memref<64x128xf32, #tpu.memory_space<vmem>>, vector<1x16xf32>,
        %parallel_loop3A_316 = vector.shape_cast %parallel_loop3A_315 : vector<1x16xf32> to vector<16xf32>
        %parallel_loop3A_317 = arith.addf %parallel_loop3A_312, %parallel_loop3A_316 : vector<16xf32>
        %parallel_loop3A_318 = arith.index_cast %parallel_loop3A_252 : i32 to index
        %parallel_loop3A_319 = arith.constant 64 : index
        %parallel_loop3A_320 = tpu.vector_load %arg11[%parallel_loop3A_318, %parallel_loop3A_319] {strides = array<i32>} : memref<64x128xf32, #tpu.memory_space<vmem>>, vector<1x16xf32>,
        %parallel_loop3A_321 = vector.shape_cast %parallel_loop3A_320 : vector<1x16xf32> to vector<16xf32>
        %parallel_loop3A_322 = vector.shape_cast %parallel_loop3A_317 : vector<16xf32> to vector<1x16xf32>
        tpu.vector_store %arg11[%parallel_loop3A_318, %parallel_loop3A_319], %parallel_loop3A_322 {add = true, strides = array<i32>} : memref<64x128xf32, #tpu.memory_space<vmem>>, vector<1x16xf32>,
        %parallel_loop3A_323 = arith.index_cast %parallel_loop3A_252 : i32 to index
        %parallel_loop3A_324 = arith.constant 80 : index
        %parallel_loop3A_325 = tpu.vector_load %arg15[%parallel_loop3A_323, %parallel_loop3A_324] {strides = array<i32>} : memref<64x128xf32, #tpu.memory_space<vmem>>, vector<1x16xf32>,
        %parallel_loop3A_326 = vector.shape_cast %parallel_loop3A_325 : vector<1x16xf32> to vector<16xf32>
        %parallel_loop3A_327 = arith.index_cast %parallel_loop3A_252 : i32 to index
        %parallel_loop3A_328 = arith.constant 80 : index
        %parallel_loop3A_329 = tpu.vector_load %arg19[%parallel_loop3A_327, %parallel_loop3A_328] {strides = array<i32>} : memref<64x128xf32, #tpu.memory_space<vmem>>, vector<1x16xf32>,
        %parallel_loop3A_330 = vector.shape_cast %parallel_loop3A_329 : vector<1x16xf32> to vector<16xf32>
        %parallel_loop3A_331 = arith.addf %parallel_loop3A_326, %parallel_loop3A_330 : vector<16xf32>
        %parallel_loop3A_332 = arith.index_cast %parallel_loop3A_252 : i32 to index
        %parallel_loop3A_333 = arith.constant 80 : index
        %parallel_loop3A_334 = tpu.vector_load %arg11[%parallel_loop3A_332, %parallel_loop3A_333] {strides = array<i32>} : memref<64x128xf32, #tpu.memory_space<vmem>>, vector<1x16xf32>,
        %parallel_loop3A_335 = vector.shape_cast %parallel_loop3A_334 : vector<1x16xf32> to vector<16xf32>
        %parallel_loop3A_336 = vector.shape_cast %parallel_loop3A_331 : vector<16xf32> to vector<1x16xf32>
        tpu.vector_store %arg11[%parallel_loop3A_332, %parallel_loop3A_333], %parallel_loop3A_336 {add = true, strides = array<i32>} : memref<64x128xf32, #tpu.memory_space<vmem>>, vector<1x16xf32>,
        %parallel_loop3A_337 = arith.index_cast %parallel_loop3A_252 : i32 to index
        %parallel_loop3A_338 = arith.constant 96 : index
        %parallel_loop3A_339 = tpu.vector_load %arg15[%parallel_loop3A_337, %parallel_loop3A_338] {strides = array<i32>} : memref<64x128xf32, #tpu.memory_space<vmem>>, vector<1x16xf32>,
        %parallel_loop3A_340 = vector.shape_cast %parallel_loop3A_339 : vector<1x16xf32> to vector<16xf32>
        %parallel_loop3A_341 = arith.index_cast %parallel_loop3A_252 : i32 to index
        %parallel_loop3A_342 = arith.constant 96 : index
        %parallel_loop3A_343 = tpu.vector_load %arg19[%parallel_loop3A_341, %parallel_loop3A_342] {strides = array<i32>} : memref<64x128xf32, #tpu.memory_space<vmem>>, vector<1x16xf32>,
        %parallel_loop3A_344 = vector.shape_cast %parallel_loop3A_343 : vector<1x16xf32> to vector<16xf32>
        %parallel_loop3A_345 = arith.addf %parallel_loop3A_340, %parallel_loop3A_344 : vector<16xf32>
        %parallel_loop3A_346 = arith.index_cast %parallel_loop3A_252 : i32 to index
        %parallel_loop3A_347 = arith.constant 96 : index
        %parallel_loop3A_348 = tpu.vector_load %arg11[%parallel_loop3A_346, %parallel_loop3A_347] {strides = array<i32>} : memref<64x128xf32, #tpu.memory_space<vmem>>, vector<1x16xf32>,
        %parallel_loop3A_349 = vector.shape_cast %parallel_loop3A_348 : vector<1x16xf32> to vector<16xf32>
        %parallel_loop3A_350 = vector.shape_cast %parallel_loop3A_345 : vector<16xf32> to vector<1x16xf32>
        tpu.vector_store %arg11[%parallel_loop3A_346, %parallel_loop3A_347], %parallel_loop3A_350 {add = true, strides = array<i32>} : memref<64x128xf32, #tpu.memory_space<vmem>>, vector<1x16xf32>,
        %parallel_loop3A_351 = arith.index_cast %parallel_loop3A_252 : i32 to index
        %parallel_loop3A_352 = arith.constant 112 : index
        %parallel_loop3A_353 = tpu.vector_load %arg15[%parallel_loop3A_351, %parallel_loop3A_352] {strides = array<i32>} : memref<64x128xf32, #tpu.memory_space<vmem>>, vector<1x16xf32>,
        %parallel_loop3A_354 = vector.shape_cast %parallel_loop3A_353 : vector<1x16xf32> to vector<16xf32>
        %parallel_loop3A_355 = arith.index_cast %parallel_loop3A_252 : i32 to index
        %parallel_loop3A_356 = arith.constant 112 : index
        %parallel_loop3A_357 = tpu.vector_load %arg19[%parallel_loop3A_355, %parallel_loop3A_356] {strides = array<i32>} : memref<64x128xf32, #tpu.memory_space<vmem>>, vector<1x16xf32>,
        %parallel_loop3A_358 = vector.shape_cast %parallel_loop3A_357 : vector<1x16xf32> to vector<16xf32>
        %parallel_loop3A_359 = arith.addf %parallel_loop3A_354, %parallel_loop3A_358 : vector<16xf32>
        %parallel_loop3A_360 = arith.index_cast %parallel_loop3A_252 : i32 to index
        %parallel_loop3A_361 = arith.constant 112 : index
        %parallel_loop3A_362 = tpu.vector_load %arg11[%parallel_loop3A_360, %parallel_loop3A_361] {strides = array<i32>} : memref<64x128xf32, #tpu.memory_space<vmem>>, vector<1x16xf32>,
        %parallel_loop3A_363 = vector.shape_cast %parallel_loop3A_362 : vector<1x16xf32> to vector<16xf32>
        %parallel_loop3A_364 = vector.shape_cast %parallel_loop3A_359 : vector<16xf32> to vector<1x16xf32>
        tpu.vector_store %arg11[%parallel_loop3A_360, %parallel_loop3A_361], %parallel_loop3A_364 {add = true, strides = array<i32>} : memref<64x128xf32, #tpu.memory_space<vmem>>, vector<1x16xf32>,
      } {sc.loop_unroll_factor = 1 : i64, sc.parallel_access}
      %add3A_163 = arith.constant 1 : i32
      %add3A_164 = arith.addi %mul3A_112, %add3A_163 : i32
      %mul3A_165 = arith.constant 64 : i32
      %mul3A_166 = arith.muli %add3A_164, %mul3A_165 : i32
      %add3A_167 = arith.addi %mul3A_2, %mul3A_166 : i32
      %dma_start3A_168 = arith.constant 0 : i32
      %dma_start3A_169 = tpu.memref_slice %arg7[%add3A_167, %dma_start3A_168] : memref<16384x128xf32, #tpu.memory_space<hbm>> -> memref<64x128xf32, #tpu.memory_space<hbm>>
      %dma_start3A_170 = arith.constant 0 : i32
      %dma_start3A_171 = tpu.memref_slice %arg7[%add3A_167, %dma_start3A_170] : memref<16384x128xf32, #tpu.memory_space<hbm>> -> memref<64x128xf32, #tpu.memory_space<hbm>>
      tpu.enqueue_dma source(%arg11 : memref<64x128xf32, #tpu.memory_space<vmem>>) target(%dma_start3A_171 : memref<64x128xf32, #tpu.memory_space<hbm>>) target_semaphore(%arg36 : memref<!tpu.dma_semaphore, #tpu.memory_space<semaphore_mem>>)
      %lt3A = arith.constant 1 : i32
      %lt3A_172 = arith.cmpi slt, %scan3A_109, %lt3A : i32
      %convert_element_type3A_173 = arith.extui %lt3A_172 : i1 to i32
      %cond3A_174 = arith.constant 0 : i32
      %cond3A_175 = arith.cmpi ne, %convert_element_type3A_173, %cond3A_174 : i32
      scf.if %cond3A_175 {
        %dma_wait3A_252 = arith.constant 0 : i32
        %dma_wait3A_253 = tpu.memref_slice %arg7[%mul3A_2, %dma_wait3A_252] : memref<16384x128xf32, #tpu.memory_space<hbm>> -> memref<64x128xf32, #tpu.memory_space<hbm>>
        %dma_wait3A_254 = arith.constant 0 : i32
        %dma_wait3A_255 = tpu.memref_slice %arg7[%mul3A_2, %dma_wait3A_254] : memref<16384x128xf32, #tpu.memory_space<hbm>> -> memref<64x128xf32, #tpu.memory_space<hbm>>
        tpu.wait_dma2 semaphore(%arg35 : memref<!tpu.dma_semaphore, #tpu.memory_space<semaphore_mem>>) src(%arg10 : memref<64x128xf32, #tpu.memory_space<vmem>>) dst(%dma_wait3A_255 : memref<64x128xf32, #tpu.memory_space<hbm>>)
        %add3A_256 = arith.constant 0 : i32
        %add3A_257 = arith.addi %mul3A_112, %add3A_256 : i32
        %add3A_258 = arith.constant 4 : i32
        %add3A_259 = arith.addi %add3A_257, %add3A_258 : i32
        %mul3A_260 = arith.constant 64 : i32
        %mul3A_261 = arith.muli %add3A_259, %mul3A_260 : i32
        %add3A_262 = arith.addi %mul3A_2, %mul3A_261 : i32
        %dma_start3A_263 = arith.constant 0 : i32
        %dma_start3A_264 = tpu.memref_slice %arg2[%add3A_262, %dma_start3A_263] : memref<16384x128xf32, #tpu.memory_space<hbm>> -> memref<64x128xf32, #tpu.memory_space<hbm>>
        %dma_start3A_265 = arith.constant 0 : i32
        %dma_start3A_266 = tpu.memref_slice %arg2[%add3A_262, %dma_start3A_265] : memref<16384x128xf32, #tpu.memory_space<hbm>> -> memref<64x128xf32, #tpu.memory_space<hbm>>
        tpu.enqueue_dma source(%dma_start3A_266 : memref<64x128xf32, #tpu.memory_space<hbm>>) target(%arg10 : memref<64x128xf32, #tpu.memory_space<vmem>>) target_semaphore(%arg23 : memref<!tpu.dma_semaphore, #tpu.memory_space<semaphore_mem>>)
        %dma_start3A_267 = arith.constant 0 : i32
        %dma_start3A_268 = tpu.memref_slice %arg8[%add3A_259, %dma_start3A_267] : memref<8x64xi32, #tpu.memory_space<vmem>> -> memref<1x64xi32, #tpu.memory_space<vmem>>
        %dma_start3A_269 = tpu.memref_squeeze %dma_start3A_268 : memref<1x64xi32, #tpu.memory_space<vmem>> -> memref<64xi32, #tpu.memory_space<vmem>>
        %dma_start3A_270 = arith.constant 0 : i32
        %dma_start3A_271 = arith.constant 0 : i32
        %dma_start3A_272 = tpu.memref_slice %arg5[%dma_start3A_270, %dma_start3A_271] : memref<100000x128xf32, #tpu.memory_space<hbm>> -> memref<100000x128xf32, #tpu.memory_space<hbm>>
        tpu.enqueue_indirect_dma source(%dma_start3A_272 : memref<100000x128xf32, #tpu.memory_space<hbm>>) target(%arg14 : memref<64x128xf32, #tpu.memory_space<vmem>>) offsets(%dma_start3A_269 : memref<64xi32, #tpu.memory_space<vmem>>) semaphore(%arg27 : memref<!tpu.dma_semaphore, #tpu.memory_space<semaphore_mem>>)
        %dma_start3A_273 = arith.constant 0 : i32
        %dma_start3A_274 = tpu.memref_slice %arg9[%add3A_259, %dma_start3A_273] : memref<8x64xi32, #tpu.memory_space<vmem>> -> memref<1x64xi32, #tpu.memory_space<vmem>>
        %dma_start3A_275 = tpu.memref_squeeze %dma_start3A_274 : memref<1x64xi32, #tpu.memory_space<vmem>> -> memref<64xi32, #tpu.memory_space<vmem>>
        %dma_start3A_276 = arith.constant 0 : i32
        %dma_start3A_277 = arith.constant 0 : i32
        %dma_start3A_278 = tpu.memref_slice %arg22[%dma_start3A_276, %dma_start3A_277] : memref<1000x128xf32, #tpu.memory_space<vmem_shared>> -> memref<1000x128xf32, #tpu.memory_space<vmem_shared>>
        tpu.enqueue_indirect_dma source(%dma_start3A_278 : memref<1000x128xf32, #tpu.memory_space<vmem_shared>>) target(%arg18 : memref<64x128xf32, #tpu.memory_space<vmem>>) offsets(%dma_start3A_275 : memref<64xi32, #tpu.memory_space<vmem>>) semaphore(%arg31 : memref<!tpu.dma_semaphore, #tpu.memory_space<semaphore_mem>>)
      } else {
      }
      %dma_wait3A_176 = arith.constant 0 : i32
      %dma_wait3A_177 = tpu.memref_slice %arg2[%mul3A_2, %dma_wait3A_176] : memref<16384x128xf32, #tpu.memory_space<hbm>> -> memref<64x128xf32, #tpu.memory_space<hbm>>
      %dma_wait3A_178 = arith.constant 0 : i32
      %dma_wait3A_179 = tpu.memref_slice %arg2[%mul3A_2, %dma_wait3A_178] : memref<16384x128xf32, #tpu.memory_space<hbm>> -> memref<64x128xf32, #tpu.memory_space<hbm>>
      tpu.wait_dma2 semaphore(%arg25 : memref<!tpu.dma_semaphore, #tpu.memory_space<semaphore_mem>>) src(%dma_wait3A_179 : memref<64x128xf32, #tpu.memory_space<hbm>>) dst(%arg12 : memref<64x128xf32, #tpu.memory_space<vmem>>)
      %dma_wait3A_180 = arith.constant 0 : i32
      %dma_wait3A_181 = arith.constant 0 : i32
      %dma_wait3A_182 = tpu.memref_slice %arg8[%dma_wait3A_180, %dma_wait3A_181] : memref<8x64xi32, #tpu.memory_space<vmem>> -> memref<1x64xi32, #tpu.memory_space<vmem>>
      %dma_wait3A_183 = tpu.memref_squeeze %dma_wait3A_182 : memref<1x64xi32, #tpu.memory_space<vmem>> -> memref<64xi32, #tpu.memory_space<vmem>>
      %dma_wait3A_184 = arith.constant 0 : i32
      %dma_wait3A_185 = arith.constant 0 : i32
      %dma_wait3A_186 = tpu.memref_slice %arg5[%dma_wait3A_184, %dma_wait3A_185] : memref<100000x128xf32, #tpu.memory_space<hbm>> -> memref<100000x128xf32, #tpu.memory_space<hbm>>
      tpu.wait_indirect_dma semaphore(%arg29 : memref<!tpu.dma_semaphore, #tpu.memory_space<semaphore_mem>>) src(%dma_wait3A_186 : memref<100000x128xf32, #tpu.memory_space<hbm>>) dst(%arg16 : memref<64x128xf32, #tpu.memory_space<vmem>>)
      %dma_wait3A_187 = arith.constant 0 : i32
      %dma_wait3A_188 = arith.constant 0 : i32
      %dma_wait3A_189 = tpu.memref_slice %arg9[%dma_wait3A_187, %dma_wait3A_188] : memref<8x64xi32, #tpu.memory_space<vmem>> -> memref<1x64xi32, #tpu.memory_space<vmem>>
      %dma_wait3A_190 = tpu.memref_squeeze %dma_wait3A_189 : memref<1x64xi32, #tpu.memory_space<vmem>> -> memref<64xi32, #tpu.memory_space<vmem>>
      %dma_wait3A_191 = arith.constant 0 : i32
      %dma_wait3A_192 = arith.constant 0 : i32
      %dma_wait3A_193 = tpu.memref_slice %arg22[%dma_wait3A_191, %dma_wait3A_192] : memref<1000x128xf32, #tpu.memory_space<vmem_shared>> -> memref<1000x128xf32, #tpu.memory_space<vmem_shared>>
      tpu.wait_indirect_dma semaphore(%arg33 : memref<!tpu.dma_semaphore, #tpu.memory_space<semaphore_mem>>) src(%dma_wait3A_193 : memref<1000x128xf32, #tpu.memory_space<vmem_shared>>) dst(%arg20 : memref<64x128xf32, #tpu.memory_space<vmem>>)
      %parallel_loop3A_194 = arith.constant 0 : i32
      %parallel_loop3A_195 = arith.constant 64 : i32
      %parallel_loop3A_196 = arith.constant 1 : i32
      scf.for %parallel_loop3A_252 = %parallel_loop3A_194 to %parallel_loop3A_195 step %parallel_loop3A_196  : i32 {
        %parallel_loop3A_253 = arith.index_cast %parallel_loop3A_252 : i32 to index
        %parallel_loop3A_254 = arith.constant 0 : index
        %parallel_loop3A_255 = tpu.vector_load %arg16[%parallel_loop3A_253, %parallel_loop3A_254] {strides = array<i32>} : memref<64x128xf32, #tpu.memory_space<vmem>>, vector<1x16xf32>,
        %parallel_loop3A_256 = vector.shape_cast %parallel_loop3A_255 : vector<1x16xf32> to vector<16xf32>
        %parallel_loop3A_257 = arith.index_cast %parallel_loop3A_252 : i32 to index
        %parallel_loop3A_258 = arith.constant 0 : index
        %parallel_loop3A_259 = tpu.vector_load %arg20[%parallel_loop3A_257, %parallel_loop3A_258] {strides = array<i32>} : memref<64x128xf32, #tpu.memory_space<vmem>>, vector<1x16xf32>,
        %parallel_loop3A_260 = vector.shape_cast %parallel_loop3A_259 : vector<1x16xf32> to vector<16xf32>
        %parallel_loop3A_261 = arith.addf %parallel_loop3A_256, %parallel_loop3A_260 : vector<16xf32>
        %parallel_loop3A_262 = arith.index_cast %parallel_loop3A_252 : i32 to index
        %parallel_loop3A_263 = arith.constant 0 : index
        %parallel_loop3A_264 = tpu.vector_load %arg12[%parallel_loop3A_262, %parallel_loop3A_263] {strides = array<i32>} : memref<64x128xf32, #tpu.memory_space<vmem>>, vector<1x16xf32>,
        %parallel_loop3A_265 = vector.shape_cast %parallel_loop3A_264 : vector<1x16xf32> to vector<16xf32>
        %parallel_loop3A_266 = vector.shape_cast %parallel_loop3A_261 : vector<16xf32> to vector<1x16xf32>
        tpu.vector_store %arg12[%parallel_loop3A_262, %parallel_loop3A_263], %parallel_loop3A_266 {add = true, strides = array<i32>} : memref<64x128xf32, #tpu.memory_space<vmem>>, vector<1x16xf32>,
        %parallel_loop3A_267 = arith.index_cast %parallel_loop3A_252 : i32 to index
        %parallel_loop3A_268 = arith.constant 16 : index
        %parallel_loop3A_269 = tpu.vector_load %arg16[%parallel_loop3A_267, %parallel_loop3A_268] {strides = array<i32>} : memref<64x128xf32, #tpu.memory_space<vmem>>, vector<1x16xf32>,
        %parallel_loop3A_270 = vector.shape_cast %parallel_loop3A_269 : vector<1x16xf32> to vector<16xf32>
        %parallel_loop3A_271 = arith.index_cast %parallel_loop3A_252 : i32 to index
        %parallel_loop3A_272 = arith.constant 16 : index
        %parallel_loop3A_273 = tpu.vector_load %arg20[%parallel_loop3A_271, %parallel_loop3A_272] {strides = array<i32>} : memref<64x128xf32, #tpu.memory_space<vmem>>, vector<1x16xf32>,
        %parallel_loop3A_274 = vector.shape_cast %parallel_loop3A_273 : vector<1x16xf32> to vector<16xf32>
        %parallel_loop3A_275 = arith.addf %parallel_loop3A_270, %parallel_loop3A_274 : vector<16xf32>
        %parallel_loop3A_276 = arith.index_cast %parallel_loop3A_252 : i32 to index
        %parallel_loop3A_277 = arith.constant 16 : index
        %parallel_loop3A_278 = tpu.vector_load %arg12[%parallel_loop3A_276, %parallel_loop3A_277] {strides = array<i32>} : memref<64x128xf32, #tpu.memory_space<vmem>>, vector<1x16xf32>,
        %parallel_loop3A_279 = vector.shape_cast %parallel_loop3A_278 : vector<1x16xf32> to vector<16xf32>
        %parallel_loop3A_280 = vector.shape_cast %parallel_loop3A_275 : vector<16xf32> to vector<1x16xf32>
        tpu.vector_store %arg12[%parallel_loop3A_276, %parallel_loop3A_277], %parallel_loop3A_280 {add = true, strides = array<i32>} : memref<64x128xf32, #tpu.memory_space<vmem>>, vector<1x16xf32>,
        %parallel_loop3A_281 = arith.index_cast %parallel_loop3A_252 : i32 to index
        %parallel_loop3A_282 = arith.constant 32 : index
        %parallel_loop3A_283 = tpu.vector_load %arg16[%parallel_loop3A_281, %parallel_loop3A_282] {strides = array<i32>} : memref<64x128xf32, #tpu.memory_space<vmem>>, vector<1x16xf32>,
        %parallel_loop3A_284 = vector.shape_cast %parallel_loop3A_283 : vector<1x16xf32> to vector<16xf32>
        %parallel_loop3A_285 = arith.index_cast %parallel_loop3A_252 : i32 to index
        %parallel_loop3A_286 = arith.constant 32 : index
        %parallel_loop3A_287 = tpu.vector_load %arg20[%parallel_loop3A_285, %parallel_loop3A_286] {strides = array<i32>} : memref<64x128xf32, #tpu.memory_space<vmem>>, vector<1x16xf32>,
        %parallel_loop3A_288 = vector.shape_cast %parallel_loop3A_287 : vector<1x16xf32> to vector<16xf32>
        %parallel_loop3A_289 = arith.addf %parallel_loop3A_284, %parallel_loop3A_288 : vector<16xf32>
        %parallel_loop3A_290 = arith.index_cast %parallel_loop3A_252 : i32 to index
        %parallel_loop3A_291 = arith.constant 32 : index
        %parallel_loop3A_292 = tpu.vector_load %arg12[%parallel_loop3A_290, %parallel_loop3A_291] {strides = array<i32>} : memref<64x128xf32, #tpu.memory_space<vmem>>, vector<1x16xf32>,
        %parallel_loop3A_293 = vector.shape_cast %parallel_loop3A_292 : vector<1x16xf32> to vector<16xf32>
        %parallel_loop3A_294 = vector.shape_cast %parallel_loop3A_289 : vector<16xf32> to vector<1x16xf32>
        tpu.vector_store %arg12[%parallel_loop3A_290, %parallel_loop3A_291], %parallel_loop3A_294 {add = true, strides = array<i32>} : memref<64x128xf32, #tpu.memory_space<vmem>>, vector<1x16xf32>,
        %parallel_loop3A_295 = arith.index_cast %parallel_loop3A_252 : i32 to index
        %parallel_loop3A_296 = arith.constant 48 : index
        %parallel_loop3A_297 = tpu.vector_load %arg16[%parallel_loop3A_295, %parallel_loop3A_296] {strides = array<i32>} : memref<64x128xf32, #tpu.memory_space<vmem>>, vector<1x16xf32>,
        %parallel_loop3A_298 = vector.shape_cast %parallel_loop3A_297 : vector<1x16xf32> to vector<16xf32>
        %parallel_loop3A_299 = arith.index_cast %parallel_loop3A_252 : i32 to index
        %parallel_loop3A_300 = arith.constant 48 : index
        %parallel_loop3A_301 = tpu.vector_load %arg20[%parallel_loop3A_299, %parallel_loop3A_300] {strides = array<i32>} : memref<64x128xf32, #tpu.memory_space<vmem>>, vector<1x16xf32>,
        %parallel_loop3A_302 = vector.shape_cast %parallel_loop3A_301 : vector<1x16xf32> to vector<16xf32>
        %parallel_loop3A_303 = arith.addf %parallel_loop3A_298, %parallel_loop3A_302 : vector<16xf32>
        %parallel_loop3A_304 = arith.index_cast %parallel_loop3A_252 : i32 to index
        %parallel_loop3A_305 = arith.constant 48 : index
        %parallel_loop3A_306 = tpu.vector_load %arg12[%parallel_loop3A_304, %parallel_loop3A_305] {strides = array<i32>} : memref<64x128xf32, #tpu.memory_space<vmem>>, vector<1x16xf32>,
        %parallel_loop3A_307 = vector.shape_cast %parallel_loop3A_306 : vector<1x16xf32> to vector<16xf32>
        %parallel_loop3A_308 = vector.shape_cast %parallel_loop3A_303 : vector<16xf32> to vector<1x16xf32>
        tpu.vector_store %arg12[%parallel_loop3A_304, %parallel_loop3A_305], %parallel_loop3A_308 {add = true, strides = array<i32>} : memref<64x128xf32, #tpu.memory_space<vmem>>, vector<1x16xf32>,
        %parallel_loop3A_309 = arith.index_cast %parallel_loop3A_252 : i32 to index
        %parallel_loop3A_310 = arith.constant 64 : index
        %parallel_loop3A_311 = tpu.vector_load %arg16[%parallel_loop3A_309, %parallel_loop3A_310] {strides = array<i32>} : memref<64x128xf32, #tpu.memory_space<vmem>>, vector<1x16xf32>,
        %parallel_loop3A_312 = vector.shape_cast %parallel_loop3A_311 : vector<1x16xf32> to vector<16xf32>
        %parallel_loop3A_313 = arith.index_cast %parallel_loop3A_252 : i32 to index
        %parallel_loop3A_314 = arith.constant 64 : index
        %parallel_loop3A_315 = tpu.vector_load %arg20[%parallel_loop3A_313, %parallel_loop3A_314] {strides = array<i32>} : memref<64x128xf32, #tpu.memory_space<vmem>>, vector<1x16xf32>,
        %parallel_loop3A_316 = vector.shape_cast %parallel_loop3A_315 : vector<1x16xf32> to vector<16xf32>
        %parallel_loop3A_317 = arith.addf %parallel_loop3A_312, %parallel_loop3A_316 : vector<16xf32>
        %parallel_loop3A_318 = arith.index_cast %parallel_loop3A_252 : i32 to index
        %parallel_loop3A_319 = arith.constant 64 : index
        %parallel_loop3A_320 = tpu.vector_load %arg12[%parallel_loop3A_318, %parallel_loop3A_319] {strides = array<i32>} : memref<64x128xf32, #tpu.memory_space<vmem>>, vector<1x16xf32>,
        %parallel_loop3A_321 = vector.shape_cast %parallel_loop3A_320 : vector<1x16xf32> to vector<16xf32>
        %parallel_loop3A_322 = vector.shape_cast %parallel_loop3A_317 : vector<16xf32> to vector<1x16xf32>
        tpu.vector_store %arg12[%parallel_loop3A_318, %parallel_loop3A_319], %parallel_loop3A_322 {add = true, strides = array<i32>} : memref<64x128xf32, #tpu.memory_space<vmem>>, vector<1x16xf32>,
        %parallel_loop3A_323 = arith.index_cast %parallel_loop3A_252 : i32 to index
        %parallel_loop3A_324 = arith.constant 80 : index
        %parallel_loop3A_325 = tpu.vector_load %arg16[%parallel_loop3A_323, %parallel_loop3A_324] {strides = array<i32>} : memref<64x128xf32, #tpu.memory_space<vmem>>, vector<1x16xf32>,
        %parallel_loop3A_326 = vector.shape_cast %parallel_loop3A_325 : vector<1x16xf32> to vector<16xf32>
        %parallel_loop3A_327 = arith.index_cast %parallel_loop3A_252 : i32 to index
        %parallel_loop3A_328 = arith.constant 80 : index
        %parallel_loop3A_329 = tpu.vector_load %arg20[%parallel_loop3A_327, %parallel_loop3A_328] {strides = array<i32>} : memref<64x128xf32, #tpu.memory_space<vmem>>, vector<1x16xf32>,
        %parallel_loop3A_330 = vector.shape_cast %parallel_loop3A_329 : vector<1x16xf32> to vector<16xf32>
        %parallel_loop3A_331 = arith.addf %parallel_loop3A_326, %parallel_loop3A_330 : vector<16xf32>
        %parallel_loop3A_332 = arith.index_cast %parallel_loop3A_252 : i32 to index
        %parallel_loop3A_333 = arith.constant 80 : index
        %parallel_loop3A_334 = tpu.vector_load %arg12[%parallel_loop3A_332, %parallel_loop3A_333] {strides = array<i32>} : memref<64x128xf32, #tpu.memory_space<vmem>>, vector<1x16xf32>,
        %parallel_loop3A_335 = vector.shape_cast %parallel_loop3A_334 : vector<1x16xf32> to vector<16xf32>
        %parallel_loop3A_336 = vector.shape_cast %parallel_loop3A_331 : vector<16xf32> to vector<1x16xf32>
        tpu.vector_store %arg12[%parallel_loop3A_332, %parallel_loop3A_333], %parallel_loop3A_336 {add = true, strides = array<i32>} : memref<64x128xf32, #tpu.memory_space<vmem>>, vector<1x16xf32>,
        %parallel_loop3A_337 = arith.index_cast %parallel_loop3A_252 : i32 to index
        %parallel_loop3A_338 = arith.constant 96 : index
        %parallel_loop3A_339 = tpu.vector_load %arg16[%parallel_loop3A_337, %parallel_loop3A_338] {strides = array<i32>} : memref<64x128xf32, #tpu.memory_space<vmem>>, vector<1x16xf32>,
        %parallel_loop3A_340 = vector.shape_cast %parallel_loop3A_339 : vector<1x16xf32> to vector<16xf32>
        %parallel_loop3A_341 = arith.index_cast %parallel_loop3A_252 : i32 to index
        %parallel_loop3A_342 = arith.constant 96 : index
        %parallel_loop3A_343 = tpu.vector_load %arg20[%parallel_loop3A_341, %parallel_loop3A_342] {strides = array<i32>} : memref<64x128xf32, #tpu.memory_space<vmem>>, vector<1x16xf32>,
        %parallel_loop3A_344 = vector.shape_cast %parallel_loop3A_343 : vector<1x16xf32> to vector<16xf32>
        %parallel_loop3A_345 = arith.addf %parallel_loop3A_340, %parallel_loop3A_344 : vector<16xf32>
        %parallel_loop3A_346 = arith.index_cast %parallel_loop3A_252 : i32 to index
        %parallel_loop3A_347 = arith.constant 96 : index
        %parallel_loop3A_348 = tpu.vector_load %arg12[%parallel_loop3A_346, %parallel_loop3A_347] {strides = array<i32>} : memref<64x128xf32, #tpu.memory_space<vmem>>, vector<1x16xf32>,
        %parallel_loop3A_349 = vector.shape_cast %parallel_loop3A_348 : vector<1x16xf32> to vector<16xf32>
        %parallel_loop3A_350 = vector.shape_cast %parallel_loop3A_345 : vector<16xf32> to vector<1x16xf32>
        tpu.vector_store %arg12[%parallel_loop3A_346, %parallel_loop3A_347], %parallel_loop3A_350 {add = true, strides = array<i32>} : memref<64x128xf32, #tpu.memory_space<vmem>>, vector<1x16xf32>,
        %parallel_loop3A_351 = arith.index_cast %parallel_loop3A_252 : i32 to index
        %parallel_loop3A_352 = arith.constant 112 : index
        %parallel_loop3A_353 = tpu.vector_load %arg16[%parallel_loop3A_351, %parallel_loop3A_352] {strides = array<i32>} : memref<64x128xf32, #tpu.memory_space<vmem>>, vector<1x16xf32>,
        %parallel_loop3A_354 = vector.shape_cast %parallel_loop3A_353 : vector<1x16xf32> to vector<16xf32>
        %parallel_loop3A_355 = arith.index_cast %parallel_loop3A_252 : i32 to index
        %parallel_loop3A_356 = arith.constant 112 : index
        %parallel_loop3A_357 = tpu.vector_load %arg20[%parallel_loop3A_355, %parallel_loop3A_356] {strides = array<i32>} : memref<64x128xf32, #tpu.memory_space<vmem>>, vector<1x16xf32>,
        %parallel_loop3A_358 = vector.shape_cast %parallel_loop3A_357 : vector<1x16xf32> to vector<16xf32>
        %parallel_loop3A_359 = arith.addf %parallel_loop3A_354, %parallel_loop3A_358 : vector<16xf32>
        %parallel_loop3A_360 = arith.index_cast %parallel_loop3A_252 : i32 to index
        %parallel_loop3A_361 = arith.constant 112 : index
        %parallel_loop3A_362 = tpu.vector_load %arg12[%parallel_loop3A_360, %parallel_loop3A_361] {strides = array<i32>} : memref<64x128xf32, #tpu.memory_space<vmem>>, vector<1x16xf32>,
        %parallel_loop3A_363 = vector.shape_cast %parallel_loop3A_362 : vector<1x16xf32> to vector<16xf32>
        %parallel_loop3A_364 = vector.shape_cast %parallel_loop3A_359 : vector<16xf32> to vector<1x16xf32>
        tpu.vector_store %arg12[%parallel_loop3A_360, %parallel_loop3A_361], %parallel_loop3A_364 {add = true, strides = array<i32>} : memref<64x128xf32, #tpu.memory_space<vmem>>, vector<1x16xf32>,
      } {sc.loop_unroll_factor = 1 : i64, sc.parallel_access}
      %add3A_197 = arith.constant 2 : i32
      %add3A_198 = arith.addi %mul3A_112, %add3A_197 : i32
      %mul3A_199 = arith.constant 64 : i32
      %mul3A_200 = arith.muli %add3A_198, %mul3A_199 : i32
      %add3A_201 = arith.addi %mul3A_2, %mul3A_200 : i32
      %dma_start3A_202 = arith.constant 0 : i32
      %dma_start3A_203 = tpu.memref_slice %arg7[%add3A_201, %dma_start3A_202] : memref<16384x128xf32, #tpu.memory_space<hbm>> -> memref<64x128xf32, #tpu.memory_space<hbm>>
      %dma_start3A_204 = arith.constant 0 : i32
      %dma_start3A_205 = tpu.memref_slice %arg7[%add3A_201, %dma_start3A_204] : memref<16384x128xf32, #tpu.memory_space<hbm>> -> memref<64x128xf32, #tpu.memory_space<hbm>>
      tpu.enqueue_dma source(%arg12 : memref<64x128xf32, #tpu.memory_space<vmem>>) target(%dma_start3A_205 : memref<64x128xf32, #tpu.memory_space<hbm>>) target_semaphore(%arg37 : memref<!tpu.dma_semaphore, #tpu.memory_space<semaphore_mem>>)
      %lt3A_206 = arith.constant 1 : i32
      %lt3A_207 = arith.cmpi slt, %scan3A_109, %lt3A_206 : i32
      %convert_element_type3A_208 = arith.extui %lt3A_207 : i1 to i32
      %cond3A_209 = arith.constant 0 : i32
      %cond3A_210 = arith.cmpi ne, %convert_element_type3A_208, %cond3A_209 : i32
      scf.if %cond3A_210 {
        %dma_wait3A_252 = arith.constant 0 : i32
        %dma_wait3A_253 = tpu.memref_slice %arg7[%mul3A_2, %dma_wait3A_252] : memref<16384x128xf32, #tpu.memory_space<hbm>> -> memref<64x128xf32, #tpu.memory_space<hbm>>
        %dma_wait3A_254 = arith.constant 0 : i32
        %dma_wait3A_255 = tpu.memref_slice %arg7[%mul3A_2, %dma_wait3A_254] : memref<16384x128xf32, #tpu.memory_space<hbm>> -> memref<64x128xf32, #tpu.memory_space<hbm>>
        tpu.wait_dma2 semaphore(%arg36 : memref<!tpu.dma_semaphore, #tpu.memory_space<semaphore_mem>>) src(%arg11 : memref<64x128xf32, #tpu.memory_space<vmem>>) dst(%dma_wait3A_255 : memref<64x128xf32, #tpu.memory_space<hbm>>)
        %add3A_256 = arith.constant 1 : i32
        %add3A_257 = arith.addi %mul3A_112, %add3A_256 : i32
        %add3A_258 = arith.constant 4 : i32
        %add3A_259 = arith.addi %add3A_257, %add3A_258 : i32
        %mul3A_260 = arith.constant 64 : i32
        %mul3A_261 = arith.muli %add3A_259, %mul3A_260 : i32
        %add3A_262 = arith.addi %mul3A_2, %mul3A_261 : i32
        %dma_start3A_263 = arith.constant 0 : i32
        %dma_start3A_264 = tpu.memref_slice %arg2[%add3A_262, %dma_start3A_263] : memref<16384x128xf32, #tpu.memory_space<hbm>> -> memref<64x128xf32, #tpu.memory_space<hbm>>
        %dma_start3A_265 = arith.constant 0 : i32
        %dma_start3A_266 = tpu.memref_slice %arg2[%add3A_262, %dma_start3A_265] : memref<16384x128xf32, #tpu.memory_space<hbm>> -> memref<64x128xf32, #tpu.memory_space<hbm>>
        tpu.enqueue_dma source(%dma_start3A_266 : memref<64x128xf32, #tpu.memory_space<hbm>>) target(%arg11 : memref<64x128xf32, #tpu.memory_space<vmem>>) target_semaphore(%arg24 : memref<!tpu.dma_semaphore, #tpu.memory_space<semaphore_mem>>)
        %dma_start3A_267 = arith.constant 0 : i32
        %dma_start3A_268 = tpu.memref_slice %arg8[%add3A_259, %dma_start3A_267] : memref<8x64xi32, #tpu.memory_space<vmem>> -> memref<1x64xi32, #tpu.memory_space<vmem>>
        %dma_start3A_269 = tpu.memref_squeeze %dma_start3A_268 : memref<1x64xi32, #tpu.memory_space<vmem>> -> memref<64xi32, #tpu.memory_space<vmem>>
        %dma_start3A_270 = arith.constant 0 : i32
        %dma_start3A_271 = arith.constant 0 : i32
        %dma_start3A_272 = tpu.memref_slice %arg5[%dma_start3A_270, %dma_start3A_271] : memref<100000x128xf32, #tpu.memory_space<hbm>> -> memref<100000x128xf32, #tpu.memory_space<hbm>>
        tpu.enqueue_indirect_dma source(%dma_start3A_272 : memref<100000x128xf32, #tpu.memory_space<hbm>>) target(%arg15 : memref<64x128xf32, #tpu.memory_space<vmem>>) offsets(%dma_start3A_269 : memref<64xi32, #tpu.memory_space<vmem>>) semaphore(%arg28 : memref<!tpu.dma_semaphore, #tpu.memory_space<semaphore_mem>>)
        %dma_start3A_273 = arith.constant 0 : i32
        %dma_start3A_274 = tpu.memref_slice %arg9[%add3A_259, %dma_start3A_273] : memref<8x64xi32, #tpu.memory_space<vmem>> -> memref<1x64xi32, #tpu.memory_space<vmem>>
        %dma_start3A_275 = tpu.memref_squeeze %dma_start3A_274 : memref<1x64xi32, #tpu.memory_space<vmem>> -> memref<64xi32, #tpu.memory_space<vmem>>
        %dma_start3A_276 = arith.constant 0 : i32
        %dma_start3A_277 = arith.constant 0 : i32
        %dma_start3A_278 = tpu.memref_slice %arg22[%dma_start3A_276, %dma_start3A_277] : memref<1000x128xf32, #tpu.memory_space<vmem_shared>> -> memref<1000x128xf32, #tpu.memory_space<vmem_shared>>
        tpu.enqueue_indirect_dma source(%dma_start3A_278 : memref<1000x128xf32, #tpu.memory_space<vmem_shared>>) target(%arg19 : memref<64x128xf32, #tpu.memory_space<vmem>>) offsets(%dma_start3A_275 : memref<64xi32, #tpu.memory_space<vmem>>) semaphore(%arg32 : memref<!tpu.dma_semaphore, #tpu.memory_space<semaphore_mem>>)
      } else {
      }
      %dma_wait3A_211 = arith.constant 0 : i32
      %dma_wait3A_212 = tpu.memref_slice %arg2[%mul3A_2, %dma_wait3A_211] : memref<16384x128xf32, #tpu.memory_space<hbm>> -> memref<64x128xf32, #tpu.memory_space<hbm>>
      %dma_wait3A_213 = arith.constant 0 : i32
      %dma_wait3A_214 = tpu.memref_slice %arg2[%mul3A_2, %dma_wait3A_213] : memref<16384x128xf32, #tpu.memory_space<hbm>> -> memref<64x128xf32, #tpu.memory_space<hbm>>
      tpu.wait_dma2 semaphore(%arg26 : memref<!tpu.dma_semaphore, #tpu.memory_space<semaphore_mem>>) src(%dma_wait3A_214 : memref<64x128xf32, #tpu.memory_space<hbm>>) dst(%arg13 : memref<64x128xf32, #tpu.memory_space<vmem>>)
      %dma_wait3A_215 = arith.constant 0 : i32
      %dma_wait3A_216 = arith.constant 0 : i32
      %dma_wait3A_217 = tpu.memref_slice %arg8[%dma_wait3A_215, %dma_wait3A_216] : memref<8x64xi32, #tpu.memory_space<vmem>> -> memref<1x64xi32, #tpu.memory_space<vmem>>
      %dma_wait3A_218 = tpu.memref_squeeze %dma_wait3A_217 : memref<1x64xi32, #tpu.memory_space<vmem>> -> memref<64xi32, #tpu.memory_space<vmem>>
      %dma_wait3A_219 = arith.constant 0 : i32
      %dma_wait3A_220 = arith.constant 0 : i32
      %dma_wait3A_221 = tpu.memref_slice %arg5[%dma_wait3A_219, %dma_wait3A_220] : memref<100000x128xf32, #tpu.memory_space<hbm>> -> memref<100000x128xf32, #tpu.memory_space<hbm>>
      tpu.wait_indirect_dma semaphore(%arg30 : memref<!tpu.dma_semaphore, #tpu.memory_space<semaphore_mem>>) src(%dma_wait3A_221 : memref<100000x128xf32, #tpu.memory_space<hbm>>) dst(%arg17 : memref<64x128xf32, #tpu.memory_space<vmem>>)
      %dma_wait3A_222 = arith.constant 0 : i32
      %dma_wait3A_223 = arith.constant 0 : i32
      %dma_wait3A_224 = tpu.memref_slice %arg9[%dma_wait3A_222, %dma_wait3A_223] : memref<8x64xi32, #tpu.memory_space<vmem>> -> memref<1x64xi32, #tpu.memory_space<vmem>>
      %dma_wait3A_225 = tpu.memref_squeeze %dma_wait3A_224 : memref<1x64xi32, #tpu.memory_space<vmem>> -> memref<64xi32, #tpu.memory_space<vmem>>
      %dma_wait3A_226 = arith.constant 0 : i32
      %dma_wait3A_227 = arith.constant 0 : i32
      %dma_wait3A_228 = tpu.memref_slice %arg22[%dma_wait3A_226, %dma_wait3A_227] : memref<1000x128xf32, #tpu.memory_space<vmem_shared>> -> memref<1000x128xf32, #tpu.memory_space<vmem_shared>>
      tpu.wait_indirect_dma semaphore(%arg34 : memref<!tpu.dma_semaphore, #tpu.memory_space<semaphore_mem>>) src(%dma_wait3A_228 : memref<1000x128xf32, #tpu.memory_space<vmem_shared>>) dst(%arg21 : memref<64x128xf32, #tpu.memory_space<vmem>>)
      %parallel_loop3A_229 = arith.constant 0 : i32
      %parallel_loop3A_230 = arith.constant 64 : i32
      %parallel_loop3A_231 = arith.constant 1 : i32
      scf.for %parallel_loop3A_252 = %parallel_loop3A_229 to %parallel_loop3A_230 step %parallel_loop3A_231  : i32 {
        %parallel_loop3A_253 = arith.index_cast %parallel_loop3A_252 : i32 to index
        %parallel_loop3A_254 = arith.constant 0 : index
        %parallel_loop3A_255 = tpu.vector_load %arg17[%parallel_loop3A_253, %parallel_loop3A_254] {strides = array<i32>} : memref<64x128xf32, #tpu.memory_space<vmem>>, vector<1x16xf32>,
        %parallel_loop3A_256 = vector.shape_cast %parallel_loop3A_255 : vector<1x16xf32> to vector<16xf32>
        %parallel_loop3A_257 = arith.index_cast %parallel_loop3A_252 : i32 to index
        %parallel_loop3A_258 = arith.constant 0 : index
        %parallel_loop3A_259 = tpu.vector_load %arg21[%parallel_loop3A_257, %parallel_loop3A_258] {strides = array<i32>} : memref<64x128xf32, #tpu.memory_space<vmem>>, vector<1x16xf32>,
        %parallel_loop3A_260 = vector.shape_cast %parallel_loop3A_259 : vector<1x16xf32> to vector<16xf32>
        %parallel_loop3A_261 = arith.addf %parallel_loop3A_256, %parallel_loop3A_260 : vector<16xf32>
        %parallel_loop3A_262 = arith.index_cast %parallel_loop3A_252 : i32 to index
        %parallel_loop3A_263 = arith.constant 0 : index
        %parallel_loop3A_264 = tpu.vector_load %arg13[%parallel_loop3A_262, %parallel_loop3A_263] {strides = array<i32>} : memref<64x128xf32, #tpu.memory_space<vmem>>, vector<1x16xf32>,
        %parallel_loop3A_265 = vector.shape_cast %parallel_loop3A_264 : vector<1x16xf32> to vector<16xf32>
        %parallel_loop3A_266 = vector.shape_cast %parallel_loop3A_261 : vector<16xf32> to vector<1x16xf32>
        tpu.vector_store %arg13[%parallel_loop3A_262, %parallel_loop3A_263], %parallel_loop3A_266 {add = true, strides = array<i32>} : memref<64x128xf32, #tpu.memory_space<vmem>>, vector<1x16xf32>,
        %parallel_loop3A_267 = arith.index_cast %parallel_loop3A_252 : i32 to index
        %parallel_loop3A_268 = arith.constant 16 : index
        %parallel_loop3A_269 = tpu.vector_load %arg17[%parallel_loop3A_267, %parallel_loop3A_268] {strides = array<i32>} : memref<64x128xf32, #tpu.memory_space<vmem>>, vector<1x16xf32>,
        %parallel_loop3A_270 = vector.shape_cast %parallel_loop3A_269 : vector<1x16xf32> to vector<16xf32>
        %parallel_loop3A_271 = arith.index_cast %parallel_loop3A_252 : i32 to index
        %parallel_loop3A_272 = arith.constant 16 : index
        %parallel_loop3A_273 = tpu.vector_load %arg21[%parallel_loop3A_271, %parallel_loop3A_272] {strides = array<i32>} : memref<64x128xf32, #tpu.memory_space<vmem>>, vector<1x16xf32>,
        %parallel_loop3A_274 = vector.shape_cast %parallel_loop3A_273 : vector<1x16xf32> to vector<16xf32>
        %parallel_loop3A_275 = arith.addf %parallel_loop3A_270, %parallel_loop3A_274 : vector<16xf32>
        %parallel_loop3A_276 = arith.index_cast %parallel_loop3A_252 : i32 to index
        %parallel_loop3A_277 = arith.constant 16 : index
        %parallel_loop3A_278 = tpu.vector_load %arg13[%parallel_loop3A_276, %parallel_loop3A_277] {strides = array<i32>} : memref<64x128xf32, #tpu.memory_space<vmem>>, vector<1x16xf32>,
        %parallel_loop3A_279 = vector.shape_cast %parallel_loop3A_278 : vector<1x16xf32> to vector<16xf32>
        %parallel_loop3A_280 = vector.shape_cast %parallel_loop3A_275 : vector<16xf32> to vector<1x16xf32>
        tpu.vector_store %arg13[%parallel_loop3A_276, %parallel_loop3A_277], %parallel_loop3A_280 {add = true, strides = array<i32>} : memref<64x128xf32, #tpu.memory_space<vmem>>, vector<1x16xf32>,
        %parallel_loop3A_281 = arith.index_cast %parallel_loop3A_252 : i32 to index
        %parallel_loop3A_282 = arith.constant 32 : index
        %parallel_loop3A_283 = tpu.vector_load %arg17[%parallel_loop3A_281, %parallel_loop3A_282] {strides = array<i32>} : memref<64x128xf32, #tpu.memory_space<vmem>>, vector<1x16xf32>,
        %parallel_loop3A_284 = vector.shape_cast %parallel_loop3A_283 : vector<1x16xf32> to vector<16xf32>
        %parallel_loop3A_285 = arith.index_cast %parallel_loop3A_252 : i32 to index
        %parallel_loop3A_286 = arith.constant 32 : index
        %parallel_loop3A_287 = tpu.vector_load %arg21[%parallel_loop3A_285, %parallel_loop3A_286] {strides = array<i32>} : memref<64x128xf32, #tpu.memory_space<vmem>>, vector<1x16xf32>,
        %parallel_loop3A_288 = vector.shape_cast %parallel_loop3A_287 : vector<1x16xf32> to vector<16xf32>
        %parallel_loop3A_289 = arith.addf %parallel_loop3A_284, %parallel_loop3A_288 : vector<16xf32>
        %parallel_loop3A_290 = arith.index_cast %parallel_loop3A_252 : i32 to index
        %parallel_loop3A_291 = arith.constant 32 : index
        %parallel_loop3A_292 = tpu.vector_load %arg13[%parallel_loop3A_290, %parallel_loop3A_291] {strides = array<i32>} : memref<64x128xf32, #tpu.memory_space<vmem>>, vector<1x16xf32>,
        %parallel_loop3A_293 = vector.shape_cast %parallel_loop3A_292 : vector<1x16xf32> to vector<16xf32>
        %parallel_loop3A_294 = vector.shape_cast %parallel_loop3A_289 : vector<16xf32> to vector<1x16xf32>
        tpu.vector_store %arg13[%parallel_loop3A_290, %parallel_loop3A_291], %parallel_loop3A_294 {add = true, strides = array<i32>} : memref<64x128xf32, #tpu.memory_space<vmem>>, vector<1x16xf32>,
        %parallel_loop3A_295 = arith.index_cast %parallel_loop3A_252 : i32 to index
        %parallel_loop3A_296 = arith.constant 48 : index
        %parallel_loop3A_297 = tpu.vector_load %arg17[%parallel_loop3A_295, %parallel_loop3A_296] {strides = array<i32>} : memref<64x128xf32, #tpu.memory_space<vmem>>, vector<1x16xf32>,
        %parallel_loop3A_298 = vector.shape_cast %parallel_loop3A_297 : vector<1x16xf32> to vector<16xf32>
        %parallel_loop3A_299 = arith.index_cast %parallel_loop3A_252 : i32 to index
        %parallel_loop3A_300 = arith.constant 48 : index
        %parallel_loop3A_301 = tpu.vector_load %arg21[%parallel_loop3A_299, %parallel_loop3A_300] {strides = array<i32>} : memref<64x128xf32, #tpu.memory_space<vmem>>, vector<1x16xf32>,
        %parallel_loop3A_302 = vector.shape_cast %parallel_loop3A_301 : vector<1x16xf32> to vector<16xf32>
        %parallel_loop3A_303 = arith.addf %parallel_loop3A_298, %parallel_loop3A_302 : vector<16xf32>
        %parallel_loop3A_304 = arith.index_cast %parallel_loop3A_252 : i32 to index
        %parallel_loop3A_305 = arith.constant 48 : index
        %parallel_loop3A_306 = tpu.vector_load %arg13[%parallel_loop3A_304, %parallel_loop3A_305] {strides = array<i32>} : memref<64x128xf32, #tpu.memory_space<vmem>>, vector<1x16xf32>,
        %parallel_loop3A_307 = vector.shape_cast %parallel_loop3A_306 : vector<1x16xf32> to vector<16xf32>
        %parallel_loop3A_308 = vector.shape_cast %parallel_loop3A_303 : vector<16xf32> to vector<1x16xf32>
        tpu.vector_store %arg13[%parallel_loop3A_304, %parallel_loop3A_305], %parallel_loop3A_308 {add = true, strides = array<i32>} : memref<64x128xf32, #tpu.memory_space<vmem>>, vector<1x16xf32>,
        %parallel_loop3A_309 = arith.index_cast %parallel_loop3A_252 : i32 to index
        %parallel_loop3A_310 = arith.constant 64 : index
        %parallel_loop3A_311 = tpu.vector_load %arg17[%parallel_loop3A_309, %parallel_loop3A_310] {strides = array<i32>} : memref<64x128xf32, #tpu.memory_space<vmem>>, vector<1x16xf32>,
        %parallel_loop3A_312 = vector.shape_cast %parallel_loop3A_311 : vector<1x16xf32> to vector<16xf32>
        %parallel_loop3A_313 = arith.index_cast %parallel_loop3A_252 : i32 to index
        %parallel_loop3A_314 = arith.constant 64 : index
        %parallel_loop3A_315 = tpu.vector_load %arg21[%parallel_loop3A_313, %parallel_loop3A_314] {strides = array<i32>} : memref<64x128xf32, #tpu.memory_space<vmem>>, vector<1x16xf32>,
        %parallel_loop3A_316 = vector.shape_cast %parallel_loop3A_315 : vector<1x16xf32> to vector<16xf32>
        %parallel_loop3A_317 = arith.addf %parallel_loop3A_312, %parallel_loop3A_316 : vector<16xf32>
        %parallel_loop3A_318 = arith.index_cast %parallel_loop3A_252 : i32 to index
        %parallel_loop3A_319 = arith.constant 64 : index
        %parallel_loop3A_320 = tpu.vector_load %arg13[%parallel_loop3A_318, %parallel_loop3A_319] {strides = array<i32>} : memref<64x128xf32, #tpu.memory_space<vmem>>, vector<1x16xf32>,
        %parallel_loop3A_321 = vector.shape_cast %parallel_loop3A_320 : vector<1x16xf32> to vector<16xf32>
        %parallel_loop3A_322 = vector.shape_cast %parallel_loop3A_317 : vector<16xf32> to vector<1x16xf32>
        tpu.vector_store %arg13[%parallel_loop3A_318, %parallel_loop3A_319], %parallel_loop3A_322 {add = true, strides = array<i32>} : memref<64x128xf32, #tpu.memory_space<vmem>>, vector<1x16xf32>,
        %parallel_loop3A_323 = arith.index_cast %parallel_loop3A_252 : i32 to index
        %parallel_loop3A_324 = arith.constant 80 : index
        %parallel_loop3A_325 = tpu.vector_load %arg17[%parallel_loop3A_323, %parallel_loop3A_324] {strides = array<i32>} : memref<64x128xf32, #tpu.memory_space<vmem>>, vector<1x16xf32>,
        %parallel_loop3A_326 = vector.shape_cast %parallel_loop3A_325 : vector<1x16xf32> to vector<16xf32>
        %parallel_loop3A_327 = arith.index_cast %parallel_loop3A_252 : i32 to index
        %parallel_loop3A_328 = arith.constant 80 : index
        %parallel_loop3A_329 = tpu.vector_load %arg21[%parallel_loop3A_327, %parallel_loop3A_328] {strides = array<i32>} : memref<64x128xf32, #tpu.memory_space<vmem>>, vector<1x16xf32>,
        %parallel_loop3A_330 = vector.shape_cast %parallel_loop3A_329 : vector<1x16xf32> to vector<16xf32>
        %parallel_loop3A_331 = arith.addf %parallel_loop3A_326, %parallel_loop3A_330 : vector<16xf32>
        %parallel_loop3A_332 = arith.index_cast %parallel_loop3A_252 : i32 to index
        %parallel_loop3A_333 = arith.constant 80 : index
        %parallel_loop3A_334 = tpu.vector_load %arg13[%parallel_loop3A_332, %parallel_loop3A_333] {strides = array<i32>} : memref<64x128xf32, #tpu.memory_space<vmem>>, vector<1x16xf32>,
        %parallel_loop3A_335 = vector.shape_cast %parallel_loop3A_334 : vector<1x16xf32> to vector<16xf32>
        %parallel_loop3A_336 = vector.shape_cast %parallel_loop3A_331 : vector<16xf32> to vector<1x16xf32>
        tpu.vector_store %arg13[%parallel_loop3A_332, %parallel_loop3A_333], %parallel_loop3A_336 {add = true, strides = array<i32>} : memref<64x128xf32, #tpu.memory_space<vmem>>, vector<1x16xf32>,
        %parallel_loop3A_337 = arith.index_cast %parallel_loop3A_252 : i32 to index
        %parallel_loop3A_338 = arith.constant 96 : index
        %parallel_loop3A_339 = tpu.vector_load %arg17[%parallel_loop3A_337, %parallel_loop3A_338] {strides = array<i32>} : memref<64x128xf32, #tpu.memory_space<vmem>>, vector<1x16xf32>,
        %parallel_loop3A_340 = vector.shape_cast %parallel_loop3A_339 : vector<1x16xf32> to vector<16xf32>
        %parallel_loop3A_341 = arith.index_cast %parallel_loop3A_252 : i32 to index
        %parallel_loop3A_342 = arith.constant 96 : index
        %parallel_loop3A_343 = tpu.vector_load %arg21[%parallel_loop3A_341, %parallel_loop3A_342] {strides = array<i32>} : memref<64x128xf32, #tpu.memory_space<vmem>>, vector<1x16xf32>,
        %parallel_loop3A_344 = vector.shape_cast %parallel_loop3A_343 : vector<1x16xf32> to vector<16xf32>
        %parallel_loop3A_345 = arith.addf %parallel_loop3A_340, %parallel_loop3A_344 : vector<16xf32>
        %parallel_loop3A_346 = arith.index_cast %parallel_loop3A_252 : i32 to index
        %parallel_loop3A_347 = arith.constant 96 : index
        %parallel_loop3A_348 = tpu.vector_load %arg13[%parallel_loop3A_346, %parallel_loop3A_347] {strides = array<i32>} : memref<64x128xf32, #tpu.memory_space<vmem>>, vector<1x16xf32>,
        %parallel_loop3A_349 = vector.shape_cast %parallel_loop3A_348 : vector<1x16xf32> to vector<16xf32>
        %parallel_loop3A_350 = vector.shape_cast %parallel_loop3A_345 : vector<16xf32> to vector<1x16xf32>
        tpu.vector_store %arg13[%parallel_loop3A_346, %parallel_loop3A_347], %parallel_loop3A_350 {add = true, strides = array<i32>} : memref<64x128xf32, #tpu.memory_space<vmem>>, vector<1x16xf32>,
        %parallel_loop3A_351 = arith.index_cast %parallel_loop3A_252 : i32 to index
        %parallel_loop3A_352 = arith.constant 112 : index
        %parallel_loop3A_353 = tpu.vector_load %arg17[%parallel_loop3A_351, %parallel_loop3A_352] {strides = array<i32>} : memref<64x128xf32, #tpu.memory_space<vmem>>, vector<1x16xf32>,
        %parallel_loop3A_354 = vector.shape_cast %parallel_loop3A_353 : vector<1x16xf32> to vector<16xf32>
        %parallel_loop3A_355 = arith.index_cast %parallel_loop3A_252 : i32 to index
        %parallel_loop3A_356 = arith.constant 112 : index
        %parallel_loop3A_357 = tpu.vector_load %arg21[%parallel_loop3A_355, %parallel_loop3A_356] {strides = array<i32>} : memref<64x128xf32, #tpu.memory_space<vmem>>, vector<1x16xf32>,
        %parallel_loop3A_358 = vector.shape_cast %parallel_loop3A_357 : vector<1x16xf32> to vector<16xf32>
        %parallel_loop3A_359 = arith.addf %parallel_loop3A_354, %parallel_loop3A_358 : vector<16xf32>
        %parallel_loop3A_360 = arith.index_cast %parallel_loop3A_252 : i32 to index
        %parallel_loop3A_361 = arith.constant 112 : index
        %parallel_loop3A_362 = tpu.vector_load %arg13[%parallel_loop3A_360, %parallel_loop3A_361] {strides = array<i32>} : memref<64x128xf32, #tpu.memory_space<vmem>>, vector<1x16xf32>,
        %parallel_loop3A_363 = vector.shape_cast %parallel_loop3A_362 : vector<1x16xf32> to vector<16xf32>
        %parallel_loop3A_364 = vector.shape_cast %parallel_loop3A_359 : vector<16xf32> to vector<1x16xf32>
        tpu.vector_store %arg13[%parallel_loop3A_360, %parallel_loop3A_361], %parallel_loop3A_364 {add = true, strides = array<i32>} : memref<64x128xf32, #tpu.memory_space<vmem>>, vector<1x16xf32>,
      } {sc.loop_unroll_factor = 1 : i64, sc.parallel_access}
      %add3A_232 = arith.constant 3 : i32
      %add3A_233 = arith.addi %mul3A_112, %add3A_232 : i32
      %mul3A_234 = arith.constant 64 : i32
      %mul3A_235 = arith.muli %add3A_233, %mul3A_234 : i32
      %add3A_236 = arith.addi %mul3A_2, %mul3A_235 : i32
      %dma_start3A_237 = arith.constant 0 : i32
      %dma_start3A_238 = tpu.memref_slice %arg7[%add3A_236, %dma_start3A_237] : memref<16384x128xf32, #tpu.memory_space<hbm>> -> memref<64x128xf32, #tpu.memory_space<hbm>>
      %dma_start3A_239 = arith.constant 0 : i32
      %dma_start3A_240 = tpu.memref_slice %arg7[%add3A_236, %dma_start3A_239] : memref<16384x128xf32, #tpu.memory_space<hbm>> -> memref<64x128xf32, #tpu.memory_space<hbm>>
      tpu.enqueue_dma source(%arg13 : memref<64x128xf32, #tpu.memory_space<vmem>>) target(%dma_start3A_240 : memref<64x128xf32, #tpu.memory_space<hbm>>) target_semaphore(%arg38 : memref<!tpu.dma_semaphore, #tpu.memory_space<semaphore_mem>>)
      %lt3A_241 = arith.constant 1 : i32
      %lt3A_242 = arith.cmpi slt, %scan3A_109, %lt3A_241 : i32
      %convert_element_type3A_243 = arith.extui %lt3A_242 : i1 to i32
      %cond3A_244 = arith.constant 0 : i32
      %cond3A_245 = arith.cmpi ne, %convert_element_type3A_243, %cond3A_244 : i32
      scf.if %cond3A_245 {
        %dma_wait3A_252 = arith.constant 0 : i32
        %dma_wait3A_253 = tpu.memref_slice %arg7[%mul3A_2, %dma_wait3A_252] : memref<16384x128xf32, #tpu.memory_space<hbm>> -> memref<64x128xf32, #tpu.memory_space<hbm>>
        %dma_wait3A_254 = arith.constant 0 : i32
        %dma_wait3A_255 = tpu.memref_slice %arg7[%mul3A_2, %dma_wait3A_254] : memref<16384x128xf32, #tpu.memory_space<hbm>> -> memref<64x128xf32, #tpu.memory_space<hbm>>
        tpu.wait_dma2 semaphore(%arg37 : memref<!tpu.dma_semaphore, #tpu.memory_space<semaphore_mem>>) src(%arg12 : memref<64x128xf32, #tpu.memory_space<vmem>>) dst(%dma_wait3A_255 : memref<64x128xf32, #tpu.memory_space<hbm>>)
        %add3A_256 = arith.constant 2 : i32
        %add3A_257 = arith.addi %mul3A_112, %add3A_256 : i32
        %add3A_258 = arith.constant 4 : i32
        %add3A_259 = arith.addi %add3A_257, %add3A_258 : i32
        %mul3A_260 = arith.constant 64 : i32
        %mul3A_261 = arith.muli %add3A_259, %mul3A_260 : i32
        %add3A_262 = arith.addi %mul3A_2, %mul3A_261 : i32
        %dma_start3A_263 = arith.constant 0 : i32
        %dma_start3A_264 = tpu.memref_slice %arg2[%add3A_262, %dma_start3A_263] : memref<16384x128xf32, #tpu.memory_space<hbm>> -> memref<64x128xf32, #tpu.memory_space<hbm>>
        %dma_start3A_265 = arith.constant 0 : i32
        %dma_start3A_266 = tpu.memref_slice %arg2[%add3A_262, %dma_start3A_265] : memref<16384x128xf32, #tpu.memory_space<hbm>> -> memref<64x128xf32, #tpu.memory_space<hbm>>
        tpu.enqueue_dma source(%dma_start3A_266 : memref<64x128xf32, #tpu.memory_space<hbm>>) target(%arg12 : memref<64x128xf32, #tpu.memory_space<vmem>>) target_semaphore(%arg25 : memref<!tpu.dma_semaphore, #tpu.memory_space<semaphore_mem>>)
        %dma_start3A_267 = arith.constant 0 : i32
        %dma_start3A_268 = tpu.memref_slice %arg8[%add3A_259, %dma_start3A_267] : memref<8x64xi32, #tpu.memory_space<vmem>> -> memref<1x64xi32, #tpu.memory_space<vmem>>
        %dma_start3A_269 = tpu.memref_squeeze %dma_start3A_268 : memref<1x64xi32, #tpu.memory_space<vmem>> -> memref<64xi32, #tpu.memory_space<vmem>>
        %dma_start3A_270 = arith.constant 0 : i32
        %dma_start3A_271 = arith.constant 0 : i32
        %dma_start3A_272 = tpu.memref_slice %arg5[%dma_start3A_270, %dma_start3A_271] : memref<100000x128xf32, #tpu.memory_space<hbm>> -> memref<100000x128xf32, #tpu.memory_space<hbm>>
        tpu.enqueue_indirect_dma source(%dma_start3A_272 : memref<100000x128xf32, #tpu.memory_space<hbm>>) target(%arg16 : memref<64x128xf32, #tpu.memory_space<vmem>>) offsets(%dma_start3A_269 : memref<64xi32, #tpu.memory_space<vmem>>) semaphore(%arg29 : memref<!tpu.dma_semaphore, #tpu.memory_space<semaphore_mem>>)
        %dma_start3A_273 = arith.constant 0 : i32
        %dma_start3A_274 = tpu.memref_slice %arg9[%add3A_259, %dma_start3A_273] : memref<8x64xi32, #tpu.memory_space<vmem>> -> memref<1x64xi32, #tpu.memory_space<vmem>>
        %dma_start3A_275 = tpu.memref_squeeze %dma_start3A_274 : memref<1x64xi32, #tpu.memory_space<vmem>> -> memref<64xi32, #tpu.memory_space<vmem>>
        %dma_start3A_276 = arith.constant 0 : i32
        %dma_start3A_277 = arith.constant 0 : i32
        %dma_start3A_278 = tpu.memref_slice %arg22[%dma_start3A_276, %dma_start3A_277] : memref<1000x128xf32, #tpu.memory_space<vmem_shared>> -> memref<1000x128xf32, #tpu.memory_space<vmem_shared>>
        tpu.enqueue_indirect_dma source(%dma_start3A_278 : memref<1000x128xf32, #tpu.memory_space<vmem_shared>>) target(%arg20 : memref<64x128xf32, #tpu.memory_space<vmem>>) offsets(%dma_start3A_275 : memref<64xi32, #tpu.memory_space<vmem>>) semaphore(%arg33 : memref<!tpu.dma_semaphore, #tpu.memory_space<semaphore_mem>>)
      } else {
      }
      %lt3A_246 = arith.constant 1 : i32
      %lt3A_247 = arith.cmpi slt, %scan3A_109, %lt3A_246 : i32
      %convert_element_type3A_248 = arith.extui %lt3A_247 : i1 to i32
      %cond3A_249 = arith.constant 0 : i32
      %cond3A_250 = arith.cmpi ne, %convert_element_type3A_248, %cond3A_249 : i32
      scf.if %cond3A_250 {
        %dma_wait3A_252 = arith.constant 0 : i32
        %dma_wait3A_253 = tpu.memref_slice %arg7[%mul3A_2, %dma_wait3A_252] : memref<16384x128xf32, #tpu.memory_space<hbm>> -> memref<64x128xf32, #tpu.memory_space<hbm>>
        %dma_wait3A_254 = arith.constant 0 : i32
        %dma_wait3A_255 = tpu.memref_slice %arg7[%mul3A_2, %dma_wait3A_254] : memref<16384x128xf32, #tpu.memory_space<hbm>> -> memref<64x128xf32, #tpu.memory_space<hbm>>
        tpu.wait_dma2 semaphore(%arg38 : memref<!tpu.dma_semaphore, #tpu.memory_space<semaphore_mem>>) src(%arg13 : memref<64x128xf32, #tpu.memory_space<vmem>>) dst(%dma_wait3A_255 : memref<64x128xf32, #tpu.memory_space<hbm>>)
        %add3A_256 = arith.constant 4 : i32
        %add3A_257 = arith.addi %mul3A_112, %add3A_256 : i32
        %sub3A = arith.constant 1 : i32
        %sub3A_258 = arith.subi %add3A_257, %sub3A : i32
        %add3A_259 = arith.constant 4 : i32
        %add3A_260 = arith.addi %sub3A_258, %add3A_259 : i32
        %mul3A_261 = arith.constant 64 : i32
        %mul3A_262 = arith.muli %add3A_260, %mul3A_261 : i32
        %add3A_263 = arith.addi %mul3A_2, %mul3A_262 : i32
        %dma_start3A_264 = arith.constant 0 : i32
        %dma_start3A_265 = tpu.memref_slice %arg2[%add3A_263, %dma_start3A_264] : memref<16384x128xf32, #tpu.memory_space<hbm>> -> memref<64x128xf32, #tpu.memory_space<hbm>>
        %dma_start3A_266 = arith.constant 0 : i32
        %dma_start3A_267 = tpu.memref_slice %arg2[%add3A_263, %dma_start3A_266] : memref<16384x128xf32, #tpu.memory_space<hbm>> -> memref<64x128xf32, #tpu.memory_space<hbm>>
        tpu.enqueue_dma source(%dma_start3A_267 : memref<64x128xf32, #tpu.memory_space<hbm>>) target(%arg13 : memref<64x128xf32, #tpu.memory_space<vmem>>) target_semaphore(%arg26 : memref<!tpu.dma_semaphore, #tpu.memory_space<semaphore_mem>>)
        %dma_start3A_268 = arith.constant 0 : i32
        %dma_start3A_269 = tpu.memref_slice %arg8[%add3A_260, %dma_start3A_268] : memref<8x64xi32, #tpu.memory_space<vmem>> -> memref<1x64xi32, #tpu.memory_space<vmem>>
        %dma_start3A_270 = tpu.memref_squeeze %dma_start3A_269 : memref<1x64xi32, #tpu.memory_space<vmem>> -> memref<64xi32, #tpu.memory_space<vmem>>
        %dma_start3A_271 = arith.constant 0 : i32
        %dma_start3A_272 = arith.constant 0 : i32
        %dma_start3A_273 = tpu.memref_slice %arg5[%dma_start3A_271, %dma_start3A_272] : memref<100000x128xf32, #tpu.memory_space<hbm>> -> memref<100000x128xf32, #tpu.memory_space<hbm>>
        tpu.enqueue_indirect_dma source(%dma_start3A_273 : memref<100000x128xf32, #tpu.memory_space<hbm>>) target(%arg17 : memref<64x128xf32, #tpu.memory_space<vmem>>) offsets(%dma_start3A_270 : memref<64xi32, #tpu.memory_space<vmem>>) semaphore(%arg30 : memref<!tpu.dma_semaphore, #tpu.memory_space<semaphore_mem>>)
        %dma_start3A_274 = arith.constant 0 : i32
        %dma_start3A_275 = tpu.memref_slice %arg9[%add3A_260, %dma_start3A_274] : memref<8x64xi32, #tpu.memory_space<vmem>> -> memref<1x64xi32, #tpu.memory_space<vmem>>
        %dma_start3A_276 = tpu.memref_squeeze %dma_start3A_275 : memref<1x64xi32, #tpu.memory_space<vmem>> -> memref<64xi32, #tpu.memory_space<vmem>>
        %dma_start3A_277 = arith.constant 0 : i32
        %dma_start3A_278 = arith.constant 0 : i32
        %dma_start3A_279 = tpu.memref_slice %arg22[%dma_start3A_277, %dma_start3A_278] : memref<1000x128xf32, #tpu.memory_space<vmem_shared>> -> memref<1000x128xf32, #tpu.memory_space<vmem_shared>>
        tpu.enqueue_indirect_dma source(%dma_start3A_279 : memref<1000x128xf32, #tpu.memory_space<vmem_shared>>) target(%arg21 : memref<64x128xf32, #tpu.memory_space<vmem>>) offsets(%dma_start3A_276 : memref<64xi32, #tpu.memory_space<vmem>>) semaphore(%arg34 : memref<!tpu.dma_semaphore, #tpu.memory_space<semaphore_mem>>)
      } else {
      }
      %scan3A_251 = arith.constant 0 : i32
      scf.yield %scan3A_251 : i32
    }
    %scan3A_93 = arith.constant 2 : i32
    %dma_wait3A = arith.constant 0 : i32
    %dma_wait3A_94 = tpu.memref_slice %arg7[%mul3A_2, %dma_wait3A] : memref<16384x128xf32, #tpu.memory_space<hbm>> -> memref<64x128xf32, #tpu.memory_space<hbm>>
    %dma_wait3A_95 = arith.constant 0 : i32
    %dma_wait3A_96 = tpu.memref_slice %arg7[%mul3A_2, %dma_wait3A_95] : memref<16384x128xf32, #tpu.memory_space<hbm>> -> memref<64x128xf32, #tpu.memory_space<hbm>>
    tpu.wait_dma2 semaphore(%arg35 : memref<!tpu.dma_semaphore, #tpu.memory_space<semaphore_mem>>) src(%arg10 : memref<64x128xf32, #tpu.memory_space<vmem>>) dst(%dma_wait3A_96 : memref<64x128xf32, #tpu.memory_space<hbm>>)
    %dma_wait3A_97 = arith.constant 0 : i32
    %dma_wait3A_98 = tpu.memref_slice %arg7[%mul3A_2, %dma_wait3A_97] : memref<16384x128xf32, #tpu.memory_space<hbm>> -> memref<64x128xf32, #tpu.memory_space<hbm>>
    %dma_wait3A_99 = arith.constant 0 : i32
    %dma_wait3A_100 = tpu.memref_slice %arg7[%mul3A_2, %dma_wait3A_99] : memref<16384x128xf32, #tpu.memory_space<hbm>> -> memref<64x128xf32, #tpu.memory_space<hbm>>
    tpu.wait_dma2 semaphore(%arg36 : memref<!tpu.dma_semaphore, #tpu.memory_space<semaphore_mem>>) src(%arg11 : memref<64x128xf32, #tpu.memory_space<vmem>>) dst(%dma_wait3A_100 : memref<64x128xf32, #tpu.memory_space<hbm>>)
    %dma_wait3A_101 = arith.constant 0 : i32
    %dma_wait3A_102 = tpu.memref_slice %arg7[%mul3A_2, %dma_wait3A_101] : memref<16384x128xf32, #tpu.memory_space<hbm>> -> memref<64x128xf32, #tpu.memory_space<hbm>>
    %dma_wait3A_103 = arith.constant 0 : i32
    %dma_wait3A_104 = tpu.memref_slice %arg7[%mul3A_2, %dma_wait3A_103] : memref<16384x128xf32, #tpu.memory_space<hbm>> -> memref<64x128xf32, #tpu.memory_space<hbm>>
    tpu.wait_dma2 semaphore(%arg37 : memref<!tpu.dma_semaphore, #tpu.memory_space<semaphore_mem>>) src(%arg12 : memref<64x128xf32, #tpu.memory_space<vmem>>) dst(%dma_wait3A_104 : memref<64x128xf32, #tpu.memory_space<hbm>>)
    %dma_wait3A_105 = arith.constant 0 : i32
    %dma_wait3A_106 = tpu.memref_slice %arg7[%mul3A_2, %dma_wait3A_105] : memref<16384x128xf32, #tpu.memory_space<hbm>> -> memref<64x128xf32, #tpu.memory_space<hbm>>
    %dma_wait3A_107 = arith.constant 0 : i32
    %dma_wait3A_108 = tpu.memref_slice %arg7[%mul3A_2, %dma_wait3A_107] : memref<16384x128xf32, #tpu.memory_space<hbm>> -> memref<64x128xf32, #tpu.memory_space<hbm>>
    tpu.wait_dma2 semaphore(%arg38 : memref<!tpu.dma_semaphore, #tpu.memory_space<semaphore_mem>>) src(%arg13 : memref<64x128xf32, #tpu.memory_space<vmem>>) dst(%dma_wait3A_108 : memref<64x128xf32, #tpu.memory_space<hbm>>)
    return
  }
}

</mosaic_0001>

<sc_bundles>
// kernel: _sie.3.cloned.1.call-start
scs
__scs_entry_jumppad:
0x0: {  	(pc) =	sbr.rel $0x88, $3  }
0x1: {  	(tag) =	ssettag $0x0;
	lr =	simm.s32 $0x1  }
0x2: {  	[smem:$0x3F9C] =	sst lr;
	_ =	strace $0xD0000000  }
0x3: {  	_ = 	snop  }
0x4: {  	_ = 	snop  }
0x5: {  	_ = 	snop  }
0x6: {  	_ = 	snop  }
0x7: {  	_ = 	snop  }
__scs_overlays_trampoline_lowered:
0x8: {  	[smem:$0x3FAB] =	sst s0  }
0x9: {  	[smem:$0x3FAC] =	sst s1  }
0xa: {  	[smem:$0x3FAD] =	sst s2  }
0xb: {  	[smem:$0x3FAE] =	sst s3  }
0xc: {  	[smem:$0x3FAF] =	sst s4  }
0xd: {  	[smem:$0x3FB0] =	sst s5  }
0xe: {  	[smem:$0x3FB1] =	sst s6  }
0xf: {  	[smem:$0x3FB2] =	sst s7  }
0x10: {  	[smem:$0x3FB3] =	sst s8  }
0x11: {  	[smem:$0x3FB4] =	sst s9;
	s0 =	simm.s32 @!p0 $0x0  }
0x12: {  	s1 =	sld [smem:$0x3F9A];
	s0 =	simm.s32 @p0 $0x1  }
0x13: {  	[smem:$0x3FB5] =	sst s0;
	s0 =	simm.s32 @!p1 $0x0  }
0x14: {  	s2 =	sld [smem:$0x3F99];
	s0 =	simm.s32 @p1 $0x1  }
0x15: {  	[smem:$0x3FB6] =	sst s0;
	s0 =	simm.s32 @!p2 $0x0  }
0x16: {  	s3 =	sld [smem:$0x3FDB];
	s0 =	simm.s32 @p2 $0x1  }
0x17: {  	s4 =	simm.s32 $0x1BF5;
	[smem:$0x3FB8] =	sst s0  }
0x18: {  	s0 =	sld [smem:$0x3F9B];
	_ =	swait.ge [sflag:s4], $0x0  }
0x19: {  	s7 =	sld [smem:$0x3F9C]  }
0x1a: {  	s8 =	sadd.s32 $0xFFFFE003, lr  }
0x1b: {  	s9 =	sadd.s32 $0xFFFFFEF7, lr;
	s5 =	simm.s32 $0xFFFFFFFF;
	p2 =	slt.u32 s8, $0xFFFFF086  }
0x1c: {  	p1 =	slt.u32 s9, $0xF7A;
	s5 =	simm.s32 @!p2 $0x0  }
0x1d: {  	s5 =	simm.s32 @p1 $0x1;
	p0 =	seq.s32 s7, s2  }
0x1e: {  	s7 =	smul.u32 @!p0 $0xF7A, s2;
	p2 =	seq.s32 @!p0 s5, $0x0  }
0x1f: {  	s9 =	smul.u32 $0xF7A, s1;
	s8 =	simm.s32 @!p0 $0x1BF5;
	p2 =	por !p2, p0  }
0x20: {  	[sflag:s8] =	ssyncset.s32 @!p0 $0xFFFFF086;
	s6 =	sadd.s32 @!p0 s3, s7;
	s7 =	simm.s32 @!p0 $0x108  }
0x21: {  	s3 =	sadd.s32 s3, s9;
	s6 =	sadd.s32 @!p0 $0x88, s6;
	s7 =	simm.s32 @p2 $0x1082  }
0x22: {  	[simem:s7], [sflag:s8] =	dma.local @!p0 [hbm:s6], $0xF7A  }
0x23: {  	s9 =	sor.u32 $0xD0000000, s2;
	s6 =	simm.s32 $0x108;
	_ =	swait.ge @!p0 [sflag:s8], $0x0  }
0x24: {  	s3 =	sadd.s32 $0x88, s3;
	s6 =	simm.s32 @!p1 $0x1082;
	[sflag:s4] =	ssyncset.s32 $0xFFFFF086  }
0x25: {  	[simem:s6], [sflag:s4] =	dma.local [hbm:s3], $0xF7A  }
0x26: {  	[smem:$0x3F9C] =	sst s1;
	(tag) =	ssettag s2;
	_ =	strace s9  }
0x27: {  	s1 =	sld [smem:$0x3FAC]  }
0x28: {  	s2 =	sld [smem:$0x3FAD]  }
0x29: {  	s4 =	sld [smem:$0x3FAF]  }
0x2a: {  	p0 =	seq.s32 s5, $0x0;
	s5 =	sld [smem:$0x3FB0]  }
0x2b: {  	s6 =	sld [smem:$0x3FB1]  }
0x2c: {  	s7 =	sld [smem:$0x3FB2]  }
0x2d: {  	s3 =	simm.s32 $0x108;
	s8 =	sld [smem:$0x3FB3]  }
0x2e: {  	s3 =	simm.s32 @!p0 $0x1082;
	s9 =	sld [smem:$0x3FB4]  }
0x2f: {  	lr =	sadd.s32 s0, s3;
	s0 =	sld [smem:$0x3FAB]  }
0x30: {  	s3 =	sld [smem:$0x3FAE]  }
0x31: {  	[smem:$0x3FB7] =	sst s10  }
0x32: {  	s10 =	sld [smem:$0x3FB5];
	_ =	sdelay $0x3  }
0x33: {  	p0 =	seq.s32 s10, $0x1;
	s10 =	sld [smem:$0x3FB7];
	_ =	sdelay $0x3  }
0x34: {  	[smem:$0x3FB7] =	sst s10  }
0x35: {  	s10 =	sld [smem:$0x3FB6];
	_ =	sdelay $0x3  }
0x36: {  	p1 =	seq.s32 s10, $0x1;
	s10 =	sld [smem:$0x3FB7];
	_ =	sdelay $0x3  }
0x37: {  	[smem:$0x3FB7] =	sst s10  }
0x38: {  	s10 =	sld [smem:$0x3FB8]  }
0x39: {  	_ = 	snop;
	(pc) =	sbr.ind lr, $3  }
0x3a: {  	_ = 	snop  }
0x3b: {  	_ = 	snop  }
0x3c: {  	p2 =	seq.s32 s10, $0x1;
	s10 =	sld [smem:$0x3FB7]  }
0x3d: {  	_ =	shalt  }
0x3e: {  	_ =	shalt  }
0x3f: {  	_ =	shalt  }
0x40: {  	_ =	shalt  }
0x41: {  	_ =	shalt  }
0x42: {  	_ =	shalt  }
0x43: {  	_ =	shalt  }
0x44: {  	_ =	shalt  }
0x45: {  	_ =	shalt  }
0x46: {  	_ =	shalt  }
0x47: {  	_ =	shalt  }
0x48: {  	_ =	shalt  }
0x49: {  	_ =	shalt  }
0x4a: {  	_ =	shalt  }
0x4b: {  	_ =	shalt  }
0x4c: {  	_ =	shalt  }
0x4d: {  	_ =	shalt  }
0x4e: {  	_ =	shalt  }
0x4f: {  	_ =	shalt  }
0x50: {  	_ =	shalt  }
0x51: {  	_ =	shalt  }
0x52: {  	_ =	shalt  }
0x53: {  	_ =	shalt  }
0x54: {  	_ =	shalt  }
0x55: {  	_ =	shalt  }
0x56: {  	_ =	shalt  }
0x57: {  	_ =	shalt  }
0x58: {  	_ =	shalt  }
0x59: {  	_ =	shalt  }
0x5a: {  	_ =	shalt  }
0x5b: {  	_ =	shalt  }
0x5c: {  	_ =	shalt  }
0x5d: {  	_ =	shalt  }
0x5e: {  	_ =	shalt  }
0x5f: {  	_ =	shalt  }
0x60: {  	_ =	shalt  }
0x61: {  	_ =	shalt  }
0x62: {  	_ =	shalt  }
0x63: {  	_ =	shalt  }
0x64: {  	_ =	shalt  }
0x65: {  	_ =	shalt  }
0x66: {  	_ =	shalt  }
0x67: {  	_ =	shalt  }
0x68: {  	_ =	shalt  }
0x69: {  	_ =	shalt  }
0x6a: {  	_ =	shalt  }
0x6b: {  	_ =	shalt  }
0x6c: {  	_ =	shalt  }
0x6d: {  	_ =	shalt  }
0x6e: {  	_ =	shalt  }
0x6f: {  	_ =	shalt  }
0x70: {  	_ =	shalt  }
0x71: {  	_ =	shalt  }
0x72: {  	_ =	shalt  }
0x73: {  	_ =	shalt  }
0x74: {  	_ =	shalt  }
0x75: {  	_ =	shalt  }
0x76: {  	_ =	shalt  }
0x77: {  	_ =	shalt  }
0x78: {  	_ =	shalt  }
0x79: {  	_ =	shalt  }
0x7a: {  	_ =	shalt  }
0x7b: {  	_ =	shalt  }
0x7c: {  	_ =	shalt  }
0x7d: {  	_ =	shalt  }
0x7e: {  	_ =	shalt  }
0x7f: {  	_ =	shalt  }
0x80: {  	_ =	shalt  }
0x81: {  	_ =	shalt  }
0x82: {  	_ =	shalt  }
0x83: {  	_ =	shalt  }
0x84: {  	_ =	shalt  }
0x85: {  	_ =	shalt  }
0x86: {  	_ =	shalt  }
0x87: {  	_ =	shalt  }
.Lfunc_end0:
.L_simem_size_0:
called_computation_lowered:
.L_overlay_start_0:
0x88: {  	s2 =	sld [smem:$0x3FD9]  }
0x89: {  	s3 =	sld [smem:$0x3FFE];
	_ =	sdelay $0x1  }
0x8a: {  	s1 =	srdreg.scid  }
0x8b: {  	s0 =	sand.u32 $0x1, s1  }
0x8c: {  	s17 =	sshll.u32 s0, $0xA;
	s2 =	sadd.s32 s3, s2  }
0x8d: {  	s2 =	sadd.s32 s2, s17  }
0x8e: {  	[smem:$0x3FC3] =	sst s2  }
0x8f: {  	_ = 	snop  }
0x90: {  	s2 =	sld [smem:$0x3FC9]  }
0x91: {  	s18 =	sld [smem:$0x3FC6]  }
0x92: {  	s4 =	sld [smem:$0x3FC5]  }
0x93: {  	s5 =	sld [smem:$0x3FD0];
	(tm) =	ssettm $0x1  }
0x94: {  	s6 =	sld [smem:$0x3FFB];
	_ =	sdelay $0x3  }
0x95: {  	_ =	strace s6  }
0x96: {  	s6 =	sld [smem:$0x3FFC];
	_ =	sdelay $0x3  }
0x97: {  	_ =	strace s6  }
0x98: {  	s6 =	sld [smem:$0x3FFD];
	_ =	sdelay $0x3  }
0x99: {  	_ =	strace s6  }
0x9a: {  	_ =	strace $0x8FFFFFFF  }
0x9b: {  	s19 =	sld [smem:$0x3FDB];
	_ =	sdelay $0x1  }
0x9c: {  	s7 =	simm.s32 $_scs_section_size  }
0x9d: {  	s8 =	simm.s32 $_size__tile_overlayer_lowered;
	s9 =	simm.s32 $_tile_overlayer_lowered  }
0x9e: {  	s22 =	simm.s32 $0x1BFF;
	s21 =	sshll.u32 s9, $0x1;
	s6 =	sadd.s32 s7, s19  }
0x9f: {  	s10 =	simm.s32 $0x0;
	s20 =	sshll.u32 s8, $0x1;
	s8 =	sadd.s32 s21, s6  }
0xa0: {  	[timem:s10], [sflag:s22] =	dma.local [hbm:s8], s20  }
0xa1: {  	_ =	swait.ge [sflag:s22], s20  }
0xa2: {  	s7 =	ssub.s32 $0x0, s20;
	[sflag:s22] =	ssyncset.done $0x0  }
0xa3: {  	[sflag:s22] =	ssyncadd.s32 s7;
	_ =	sdelay $0x1  }
0xa4: {  	s23 =	simm.s32 $0x1B8B  }
0xa5: {  	_ =	swait.ge [sflag:s23], $0x1  }
0xa6: {  	[sflag:s23] =	ssyncset.done $0x0  }
0xa7: {  	s25 =	simm.s32 $0x1B8E;
	s24 =	sld [smem:$0x3FFE];
	[sflag:s23] =	ssyncadd.s32 $0xFFFFFFFF  }
0xa8: {  	s26 =	simm.s32 $execute0_lowered;
	[smem:$0x3FD2] =	sst s25  }
0xa9: {  	s8 =	sshll.u32 s26, $0x1;
	_ =	strace $0x80000046;
	[dreg:$0x1] =	wrdreg $0xFFFFFFFF  }
0xaa: {  	s28 =	simm.s32 $_size_execute0_lowered;
	s6 =	sadd.s32 s6, s8;
	[dreg:$0x0] =	wrdreg $0x0  }
0xab: {  	s8 =	sshll.u32 s28, $0x1;
	[dreg:$0x2] =	wrdreg s6  }
0xac: {  	[dreg:$0x3] =	wrdreg s8  }
0xad: {  	[dreg:$0x4] =	wrdreg $0xC0  }
0xae: {  	_ =	task [dreg:s10], $0x5FFFF  }
0xaf: {  	[dreg:$0x1] =	wrdreg $0xFFFFFFFF  }
0xb0: {  	[dreg:$0x0] =	wrdreg $0x60  }
0xb1: {  	[dreg:$0x2] =	wrdreg s2  }
0xb2: {  	[dreg:$0x3] =	wrdreg s24  }
0xb3: {  	[dreg:$0x4] =	wrdreg s18  }
0xb4: {  	[dreg:$0x5] =	wrdreg s4  }
0xb5: {  	[dreg:$0x6] =	wrdreg s5  }
0xb6: {  	[dreg:$0x7] =	wrdreg $0x188000  }
0xb7: {  	[dreg:$0x8] =	wrdreg $0x9  }
0xb8: {  	_ =	task.clear_ibuf [dreg:s10], $0x9FFFF;
	_ =	strace $0x90000046  }
0xb9: {  	s29 =	simm.s32 $0x9;
	_ =	strace $0x80000048  }
0xba: {  	_ =	swait.ge [sflag:s29], $0x1  }
0xbb: {  	[sflag:s29] =	ssyncadd.s32 $0xFFFFFFFF  }
0xbc: {  	_ =	strace $0x90000048  }
0xbd: {  	_ =	sfence  }
0xbe: {  	s30 =	sld [smem:$0x0];
	_ =	sdelay $0x2  }
0xbf: {  	s31 =	sshll.u32 s1, $0xD;
	s1 =	sshrl.u32 s1, $0x2  }
0xc0: {  	s3 =	sand.u32 $0x4000, s31;
	s1 =	sadd.s32 s1, s30  }
0xc1: {  	s0 =	sor.u32 s3, s0;
	s1 =	sshll.u32 s1, $0x11  }
0xc2: {  	s0 =	sor.u32 s1, s0  }
0xc3: {  	s0 =	sadd.s32 $0x8F2B, s0  }
0xc4: {  	[sflag:s0] =	ssyncadd.remote.s32 $0x1  }
0xc5: {  	_ =	sfence.sel $0xFFFF  }
0xc6: {  	[dreg:$0x0] =	wrdreg $0xFFFFFFFF;
	(pc) =	sbr.abs _section_cstart, $3  }
0xc7: {  	[dreg:$0x1] =	wrdreg $0xFFFFFFFF  }
0xc8: {  	_ =	task.clear_ibuf [dreg:s10], $0x2FFFF;
	_ =	strace $0x9FFFFFFF  }
0xc9: {  	(tm) =	ssettm $0x7FFFFFFF  }
tec
execute0_lowered:
.L_overlay_start_1:
0x0: {  	(tag) =	ssettag $0x1  }
0x1: {  	s0 =	rddreg [dreg:$0x0]  }
0x2: {  	s2 =	rddreg [dreg:$0x1]  }
0x3: {  	s1 =	rddreg [dreg:$0x2]  }
0x4: {  	s9 =	rddreg [dreg:$0x4]  }
0x5: {  	s4 =	rddreg [dreg:$0x5];
	s3 =	srdreg.scid  }
0x6: {  	s7 =	stileid.u32;
	s5 =	simm.s32 $0x0;
	s18 =	simm.s32 $0x800  }
0x7: {  	s19 =	simm.s32 $0x40;
	s28 =	simm.s32 $0x4800;
	s29 =	simm.s32 $0x2  }
0x8: {  	s31 =	simm.s32 $0x6;
	s20 =	simm.s32 $0xA;
	s16 =	simm.s32 $0x7  }
0x9: {  	s10 =	simm.s32 $0x4;
	s11 =	simm.s32 $0x8;
	s12 =	simm.s32 $0xC  }
0xa: {  	s14 =	simm.s32 $0xF;
	s17 =	simm.s32 $0x10;
	s3 =	sand.u32 $0x1, s3  }
0xb: {  	s6 =	sshll.u32 s7, $0x1;
	[smem:$0x7FF] =	sst s5;
	p0 =	sne.s32 s7, $0x0  }
0xc: {  	s7 =	simm.s32 $0x3;
	s6 =	sor.u32 s3, s6;
	_ =	strace $0x80000047  }
0xd: {  	s3 =	ssub.s32 $0x2, s3;
	s8 =	sshll.u32 s6, $0x7;
	s6 =	sshll.u32 s6, $0xD  }
0xe: {  	s2 =	sadd.s32 s8, s2;
	s8 =	sadd.s32 s0, s6;
	s0 =	sshrl.u32 @!p0 s4, $0x3  }
0xf: {  	s21 =	sshrl.u32 s3, $0x1;
	s22 =	sadd.s32 $0x400, s2;
	[dreg:$0xd] =	wrdreg s0  }
0x10: {  	s3 =	ssub.s32 s3, s21;
	s23 =	sadd.s32 $0x1400, s2;
	[dreg:$0x7] =	wrdreg s22  }
0x11: {  	s13 =	sadd.s32 s9, s6;
	s24 =	sadd.s32 $0x400, s8;
	[dreg:$0x8] =	wrdreg s23  }
.Ltmp0:
0x12: {  	s25 =	sadd.s32 $0x800, s8;
	[dreg:$0x9] =	wrdreg s24;
	(pc) =	sbr.rel .LBB2_1-.Ltmp0, $4  }
0x13: {  	s9 =	simm.s32 $0xB;
	s26 =	sadd.s32 $0xC00, s8;
	[dreg:$0xa] =	wrdreg s25  }
0x14: {  	s30 =	smax.u32 s3, $0x1;
	s2 =	simm.s32 $0x6800;
	[dreg:$0xb] =	wrdreg s26  }
0x15: {  	s3 =	simm.s32 $0x0;
	[dreg:$0xc] =	wrdreg s30;
	s22 =	simm.s32 $0x2800  }
0x16: {  	s24 =	simm.s32 $0x1;
	s25 =	simm.s32 $0x5;
	s26 =	simm.s32 $0x9  }
.LBB2_12:
0x17: {  	s0 =	simm.s32 $0xD  }
0x18: {  	_ =	swait.ge [sflag:s0], $0x2000  }
0x19: {  	[sflag:s0] =	ssyncset.done $0x0  }
0x1a: {  	s23 =	simm.s32 $0xE;
	[sflag:s0] =	ssyncadd.s32 $0xFFFFE000  }
0x1b: {  	_ =	swait.ge [sflag:s23], $0x2000  }
0x1c: {  	[sflag:s23] =	ssyncset.done $0x0  }
0x1d: {  	[sflag:s23] =	ssyncadd.s32 $0xFFFFE000  }
0x1e: {  	_ =	swait.ge [sflag:s14], $0x2000  }
0x1f: {  	[sflag:s14] =	ssyncset.done $0x0  }
0x20: {  	[sflag:s14] =	ssyncadd.s32 $0xFFFFE000  }
0x21: {  	_ =	swait.ge [sflag:s17], $0x2000  }
0x22: {  	s3 =	rddreg [dreg:$0xe]  }
0x23: {  	s30 =	rddreg [dreg:$0xc];
	s3 =	sadd.s32 $0x1, s3  }
0x24: {  	p1 =	sne.s32 s3, s30  }
.Ltmp1:
0x25: {  	_ = 	snop;
	(pc) =	sbr.rel @!p1 .LBB2_13-.Ltmp1, $3  }
0x26: {  	_ =	sdelay $0x1  }
0x27: {  	[sflag:s17] =	ssyncset.done $0x0  }
0x28: {  	[sflag:s17] =	ssyncadd.s32 $0xFFFFE000  }
.LBB2_1:
0x29: {  	[dreg:$0xe] =	wrdreg s3  }
0x2a: {  	s0 =	rddreg [dreg:$0x7];
	s21 =	simm.s32 $0x11  }
0x2b: {  	[tilespmem:s5], [sflag:$0x11] =	stream.linear.gather [hbm4b:s0+s5], $0x400, $0x38;
	[tilespmem:$0x1A740] =	vst v63  }
0x2c: {  	_ =	swait.ge [sflag:s21], $0x400  }
0x2d: {  	[sflag:s21] =	ssyncset.done $0x0  }
0x2e: {  	s15 =	simm.s32 $0x400;
	s23 =	rddreg [dreg:$0x8];
	[sflag:s21] =	ssyncadd.s32 $0xFFFFFC00  }
0x2f: {  	[tilespmem:s15], [sflag:$0x11] =	stream.linear.gather [hbm4b:s23+s5], $0x400, $0x38;
	[tilespmem:$0x1A740] =	vst v63  }
0x30: {  	_ =	swait.ge [sflag:s21], $0x400  }
0x31: {  	[sflag:s21] =	ssyncset.done $0x0  }
0x32: {  	[sflag:s21] =	ssyncadd.s32 $0xFFFFFC00;
	s21 =	rddreg [dreg:$0xd]  }
0x33: {  	s0 =	simm.s32 @!p0 $0x1C11;
	s3 =	rddreg [dreg:$0x3]  }
0x34: {  	[spmem:s21], [sflag:s0] =	dma.local @!p0 [hbm:s3], $0x3E80  }
0x35: {  	s0 =	simm.s32 @!p0 $0x11  }
0x36: {  	_ =	swait.ge @!p0 [sflag:s0], $0x3E80  }
0x37: {  	[sflag:s0] =	ssyncset.done @!p0 $0x0  }
0x38: {  	[sflag:s0] =	ssyncadd.s32 @!p0 $0xFFFFC180  }
0x39: {  	[bflag:$0x0] =	sbarrier.arrive $0xFFFF  }
0x3a: {  	[tilespmem:s18], [sflag:$0x1] =	stream.linear.gather [hbm4b:s8+s5], $0x2000, $0x38;
	[tilespmem:$0x1A740] =	vst v63  }
0x3b: {  	s30 =	simm.s32 $0x8800  }
0x3c: {  	[tilespmem:s30], [sflag:$0x5] =	stream.indirect.gather [hbm4b:s1+s19], $0x80, s5, s19, $0xb8;
	[tilespmem:$0x1A740] =	vst v63  }
0x3d: {  	s3 =	simm.s32 $0x10800  }
0x3e: {  	[tilespmem:s3], [sflag:$0x9] =	stream.indirect.gather [spmem:s4], $0x80, s15, s19, $0xb8;
	[tilespmem:$0x1A740] =	vst v63  }
0x3f: {  	s21 =	rddreg [dreg:$0x9]  }
0x40: {  	[tilespmem:s22], [sflag:$0x2] =	stream.linear.gather [hbm4b:s21+s5], $0x2000, $0x38;
	[tilespmem:$0x1A740] =	vst v63  }
0x41: {  	s23 =	simm.s32 $0x80;
	s30 =	simm.s32 $0xA800  }
0x42: {  	[tilespmem:s30], [sflag:$0x6] =	stream.indirect.gather [hbm4b:s1+s19], $0x80, s23, s19, $0xb8;
	[tilespmem:$0x1A740] =	vst v63  }
0x43: {  	s3 =	simm.s32 $0x480;
	s15 =	simm.s32 $0x12800  }
0x44: {  	[tilespmem:s15], [sflag:$0xA] =	stream.indirect.gather [spmem:s4], $0x80, s3, s19, $0xb8;
	[tilespmem:$0x1A740] =	vst v63  }
0x45: {  	s21 =	rddreg [dreg:$0xa]  }
0x46: {  	[tilespmem:s28], [sflag:$0x3] =	stream.linear.gather [hbm4b:s21+s5], $0x2000, $0x38;
	[tilespmem:$0x1A740] =	vst v63  }
0x47: {  	s23 =	simm.s32 $0x100;
	s30 =	simm.s32 $0xC800  }
0x48: {  	[tilespmem:s30], [sflag:$0x7] =	stream.indirect.gather [hbm4b:s1+s19], $0x80, s23, s19, $0xb8;
	[tilespmem:$0x1A740] =	vst v63  }
0x49: {  	s3 =	simm.s32 $0x500;
	s15 =	simm.s32 $0x14800  }
0x4a: {  	[tilespmem:s15], [sflag:$0xB] =	stream.indirect.gather [spmem:s4], $0x80, s3, s19, $0xb8;
	[tilespmem:$0x1A740] =	vst v63  }
0x4b: {  	p1 =	por $0x0, $0x0;
	s0 =	simm.s32 $0x580;
	s21 =	rddreg [dreg:$0xb]  }
0x4c: {  	[tilespmem:s2], [sflag:$0x4] =	stream.linear.gather [hbm4b:s21+s5], $0x2000, $0x38;
	[tilespmem:$0x1A740] =	vst v63  }
0x4d: {  	s23 =	simm.s32 $0x180;
	s30 =	simm.s32 $0xE800;
	s15 =	simm.s32 $0x0  }
0x4e: {  	[tilespmem:s30], [sflag:$0x8] =	stream.indirect.gather [hbm4b:s1+s19], $0x80, s23, s19, $0xb8;
	[tilespmem:$0x1A740] =	vst v63  }
.LBB2_2:
0x4f: {  	s3 =	simm.s32 $0x16800  }
0x50: {  	[tilespmem:s3], [sflag:$0xC] =	stream.indirect.gather [spmem:s4], $0x80, s0, s19, $0xb8;
	[tilespmem:$0x1A740] =	vst v63  }
0x51: {  	_ =	swait.ge [sflag:s24], $0x2000  }
0x52: {  	[sflag:s24] =	ssyncset.done $0x0  }
0x53: {  	[sflag:s24] =	ssyncadd.s32 $0xFFFFE000  }
0x54: {  	_ =	swait.ge [sflag:s25], $0x2000  }
0x55: {  	[sflag:s25] =	ssyncset.done $0x0  }
0x56: {  	[sflag:s25] =	ssyncadd.s32 $0xFFFFE000  }
0x57: {  	_ =	swait.ge [sflag:s26], $0x2000  }
0x58: {  	[sflag:s26] =	ssyncset.done $0x0  }
0x59: {  	s30 =	simm.s32 $0x0;
	[sflag:s26] =	ssyncadd.s32 $0xFFFFE000  }
0x5a: {  	s3 =	simm.s32 $0x200;
	v0 =	vld [tilespmem:s30+$0x8870]  }
.LBB2_3:
0x5b: {  	p2 =	sne.s32 s3, $0x7E00;
	v1 =	vld [tilespmem:s30+$0x10870]  }
0x5c: {  	v2 =	vld [tilespmem:s30+$0x8800]  }
0x5d: {  	v3 =	vld [tilespmem:s30+$0x10800]  }
0x5e: {  	v4 =	vld [tilespmem:s30+$0x8810]  }
0x5f: {  	v5 =	vld [tilespmem:s30+$0x10810]  }
0x60: {  	v6 =	vld [tilespmem:s30+$0x8820];
	v0 =	vadd.f32 v1, v0  }
0x61: {  	v1 =	vld [tilespmem:s30+$0x10820]  }
0x62: {  	v2 =	vadd.f32 v3, v2;
	[tilespmem:s30+$0x870] =	vst.add.f32.msk $0xffff, v0  }
0x63: {  	v0 =	vld [tilespmem:s30+$0x8830]  }
0x64: {  	v3 =	vadd.f32 v5, v4;
	v4 =	vld [tilespmem:s30+$0x10830]  }
0x65: {  	v5 =	vld [tilespmem:s30+$0x8840]  }
0x66: {  	v1 =	vadd.f32 v1, v6;
	v6 =	vld [tilespmem:s30+$0x10840]  }
0x67: {  	v7 =	vld [tilespmem:s30+$0x8850]  }
0x68: {  	v8 =	vld [tilespmem:s30+$0x10850]  }
0x69: {  	v0 =	vadd.f32 v4, v0;
	v4 =	vld [tilespmem:s30+$0x8860]  }
0x6a: {  	v9 =	vld [tilespmem:s30+$0x10860]  }
0x6b: {  	[tilespmem:s30+$0x800] =	vst.add.f32.msk $0xffff, v2;
	v2 =	vadd.f32 v6, v5  }
0x6c: {  	[tilespmem:s30+$0x810] =	vst.add.f32.msk $0xffff, v3  }
0x6d: {  	[tilespmem:s30+$0x820] =	vst.add.f32.msk $0xffff, v1;
	v1 =	vadd.f32 v8, v7  }
.Ltmp2:
0x6e: {  	[tilespmem:s30+$0x830] =	vst.add.f32.msk $0xffff, v0;
	(pc) =	sbr.rel @p2 .LBB2_3-.Ltmp2, $4  }
0x6f: {  	[tilespmem:s30+$0x840] =	vst.add.f32.msk $0xffff, v2;
	v0 =	vadd.f32 v9, v4  }
0x70: {  	[tilespmem:s30+$0x850] =	vst.add.f32.msk $0xffff, v1  }
0x71: {  	[tilespmem:s30+$0x860] =	vst.add.f32.msk $0xffff, v0;
	s30 =	sshra.s32 s3, $0x2  }
0x72: {  	s3 =	sadd.s32 $0x200, s3;
	v0 =	vld [tilespmem:s30+$0x8870]  }
0x73: {  	v1 =	vld [tilespmem:s30+$0x10870]  }
0x74: {  	v2 =	vld [tilespmem:s30+$0x8800]  }
0x75: {  	v3 =	vld [tilespmem:s30+$0x10800]  }
0x76: {  	v4 =	vld [tilespmem:s30+$0x8810]  }
0x77: {  	v5 =	vld [tilespmem:s30+$0x10810]  }
0x78: {  	v6 =	vld [tilespmem:s30+$0x8820]  }
0x79: {  	v7 =	vld [tilespmem:s30+$0x10830]  }
0x7a: {  	v8 =	vld [tilespmem:s30+$0x8840]  }
0x7b: {  	v9 =	vld [tilespmem:s30+$0x10840]  }
0x7c: {  	v10 =	vld [tilespmem:s30+$0x8850]  }
0x7d: {  	v11 =	vld [tilespmem:s30+$0x10850];
	v0 =	vadd.f32 v1, v0  }
0x7e: {  	v1 =	vld [tilespmem:s30+$0x10820]  }
0x7f: {  	[tilespmem:s30+$0x870] =	vst.add.f32.msk $0xffff, v0  }
0x80: {  	v0 =	vld [tilespmem:s30+$0x8830]  }
0x81: {  	v63 =	vld [tilespmem:s30+$0x10860];
	v2 =	vadd.f32 v3, v2  }
0x82: {  	v3 =	vld [tilespmem:s30+$0x8860];
	v4 =	vadd.f32 v5, v4  }
0x83: {  	[tilespmem:s30+$0x800] =	vst.add.f32.msk $0xffff, v2;
	v2 =	vadd.f32 v9, v8  }
0x84: {  	[tilespmem:s30+$0x810] =	vst.add.f32.msk $0xffff, v4;
	v1 =	vadd.f32 v1, v6  }
0x85: {  	[tilespmem:s30+$0x840] =	vst.add.f32.msk $0xffff, v2;
	v0 =	vadd.f32 v7, v0  }
0x86: {  	[tilespmem:s30+$0x820] =	vst.add.f32.msk $0xffff, v1;
	v1 =	vadd.f32 v11, v10  }
0x87: {  	[tilespmem:s30+$0x830] =	vst.add.f32.msk $0xffff, v0;
	v0 =	vadd.f32 v63, v3  }
0x88: {  	s3 =	sshll.u32 s15, $0xC;
	[tilespmem:s30+$0x850] =	vst.add.f32.msk $0xffff, v1  }
0x89: {  	s0 =	sadd.s32 s3, s13;
	[tilespmem:s30+$0x860] =	vst.add.f32.msk $0xffff, v0;
	s30 =	simm.s32 $0x0  }
0x8a: {  	[hbm4b:s0+s30] =	stream.linear.scatter [tilespmem:s18], [sflag:$0xD], $0x2000, $0x38;
	[tilespmem:$0x1A740] =	vst v63  }
0x8b: {  	_ =	swait.ge [sflag:s29], $0x2000  }
0x8c: {  	[sflag:s29] =	ssyncset.done $0x0  }
0x8d: {  	[sflag:s29] =	ssyncadd.s32 $0xFFFFE000  }
0x8e: {  	_ =	swait.ge [sflag:s31], $0x2000  }
0x8f: {  	[sflag:s31] =	ssyncset.done $0x0  }
0x90: {  	[sflag:s31] =	ssyncadd.s32 $0xFFFFE000  }
0x91: {  	_ =	swait.ge [sflag:s20], $0x2000  }
0x92: {  	[sflag:s20] =	ssyncset.done $0x0  }
0x93: {  	s30 =	simm.s32 $0x0;
	[sflag:s20] =	ssyncadd.s32 $0xFFFFE000  }
0x94: {  	s0 =	simm.s32 $0x200;
	v0 =	vld [tilespmem:s30+$0xA870]  }
.LBB2_5:
0x95: {  	p2 =	sne.s32 s0, $0x7E00;
	v1 =	vld [tilespmem:s30+$0x12870]  }
0x96: {  	v2 =	vld [tilespmem:s30+$0xA800]  }
0x97: {  	v3 =	vld [tilespmem:s30+$0x12800]  }
0x98: {  	v4 =	vld [tilespmem:s30+$0xA810]  }
0x99: {  	v5 =	vld [tilespmem:s30+$0x12810]  }
0x9a: {  	v6 =	vld [tilespmem:s30+$0xA820];
	v0 =	vadd.f32 v1, v0  }
0x9b: {  	v1 =	vld [tilespmem:s30+$0x12820]  }
0x9c: {  	v2 =	vadd.f32 v3, v2;
	[tilespmem:s30+$0x2870] =	vst.add.f32.msk $0xffff, v0  }
0x9d: {  	v0 =	vld [tilespmem:s30+$0xA830]  }
0x9e: {  	v3 =	vadd.f32 v5, v4;
	v4 =	vld [tilespmem:s30+$0x12830]  }
0x9f: {  	v5 =	vld [tilespmem:s30+$0xA840]  }
0xa0: {  	v1 =	vadd.f32 v1, v6;
	v6 =	vld [tilespmem:s30+$0x12840]  }
0xa1: {  	v7 =	vld [tilespmem:s30+$0xA850]  }
0xa2: {  	v8 =	vld [tilespmem:s30+$0x12850]  }
0xa3: {  	v0 =	vadd.f32 v4, v0;
	v4 =	vld [tilespmem:s30+$0xA860]  }
0xa4: {  	v9 =	vld [tilespmem:s30+$0x12860]  }
0xa5: {  	[tilespmem:s30+$0x2800] =	vst.add.f32.msk $0xffff, v2;
	v2 =	vadd.f32 v6, v5  }
0xa6: {  	[tilespmem:s30+$0x2810] =	vst.add.f32.msk $0xffff, v3  }
0xa7: {  	[tilespmem:s30+$0x2820] =	vst.add.f32.msk $0xffff, v1;
	v1 =	vadd.f32 v8, v7  }
.Ltmp3:
0xa8: {  	[tilespmem:s30+$0x2830] =	vst.add.f32.msk $0xffff, v0;
	(pc) =	sbr.rel @p2 .LBB2_5-.Ltmp3, $4  }
0xa9: {  	[tilespmem:s30+$0x2840] =	vst.add.f32.msk $0xffff, v2;
	v0 =	vadd.f32 v9, v4  }
0xaa: {  	[tilespmem:s30+$0x2850] =	vst.add.f32.msk $0xffff, v1  }
0xab: {  	[tilespmem:s30+$0x2860] =	vst.add.f32.msk $0xffff, v0;
	s30 =	sshra.s32 s0, $0x2  }
0xac: {  	s0 =	sadd.s32 $0x200, s0;
	v0 =	vld [tilespmem:s30+$0xA870]  }
0xad: {  	v1 =	vld [tilespmem:s30+$0x12870]  }
0xae: {  	v2 =	vld [tilespmem:s30+$0xA800]  }
0xaf: {  	v3 =	vld [tilespmem:s30+$0x12800]  }
0xb0: {  	v4 =	vld [tilespmem:s30+$0xA810]  }
0xb1: {  	v5 =	vld [tilespmem:s30+$0x12810]  }
0xb2: {  	v6 =	vld [tilespmem:s30+$0xA820]  }
0xb3: {  	v7 =	vld [tilespmem:s30+$0x12830]  }
0xb4: {  	v8 =	vld [tilespmem:s30+$0xA840]  }
0xb5: {  	v9 =	vld [tilespmem:s30+$0x12840]  }
0xb6: {  	v10 =	vld [tilespmem:s30+$0xA850]  }
0xb7: {  	v11 =	vld [tilespmem:s30+$0x12850];
	v0 =	vadd.f32 v1, v0  }
0xb8: {  	v1 =	vld [tilespmem:s30+$0x12820]  }
0xb9: {  	[tilespmem:s30+$0x2870] =	vst.add.f32.msk $0xffff, v0  }
0xba: {  	v0 =	vld [tilespmem:s30+$0xA830]  }
0xbb: {  	v63 =	vld [tilespmem:s30+$0x12860];
	v2 =	vadd.f32 v3, v2  }
0xbc: {  	v3 =	vld [tilespmem:s30+$0xA860];
	v4 =	vadd.f32 v5, v4  }
0xbd: {  	[tilespmem:s30+$0x2800] =	vst.add.f32.msk $0xffff, v2;
	v2 =	vadd.f32 v9, v8  }
0xbe: {  	[tilespmem:s30+$0x2810] =	vst.add.f32.msk $0xffff, v4;
	v1 =	vadd.f32 v1, v6  }
0xbf: {  	[tilespmem:s30+$0x2840] =	vst.add.f32.msk $0xffff, v2;
	v0 =	vadd.f32 v7, v0  }
0xc0: {  	[tilespmem:s30+$0x2820] =	vst.add.f32.msk $0xffff, v1;
	v1 =	vadd.f32 v11, v10  }
0xc1: {  	s0 =	sor.u32 s6, s3;
	s23 =	rddreg [dreg:$0x4];
	[tilespmem:s30+$0x2830] =	vst.add.f32.msk $0xffff, v0;
	v0 =	vadd.f32 v63, v3  }
0xc2: {  	s3 =	sadd.s32 s0, s23;
	[tilespmem:s30+$0x2850] =	vst.add.f32.msk $0xffff, v1  }
0xc3: {  	s0 =	sadd.s32 $0x400, s3;
	[tilespmem:s30+$0x2860] =	vst.add.f32.msk $0xffff, v0  }
0xc4: {  	[hbm4b:s0+s5] =	stream.linear.scatter [tilespmem:s22], [sflag:$0xE], $0x2000, $0x38;
	[tilespmem:$0x1A740] =	vst v63  }
0xc5: {  	s0 =	simm.s32 @!p1 $0xD  }
0xc6: {  	s15 =	sshll.u32 s15, $0x2;
	_ =	swait.ge @!p1 [sflag:s0], $0x2000  }
0xc7: {  	s30 =	sadd.s32 @!p1 $0x4, s15;
	[sflag:s0] =	ssyncset.done @!p1 $0x0  }
0xc8: {  	[sflag:s0] =	ssyncadd.s32 @!p1 $0xFFFFE000;
	s0 =	sshll.u32 @!p1 s30, $0xA  }
0xc9: {  	s21 =	simm.s32 @!p1 $0x0;
	s23 =	simm.s32 @!p1 $0x800;
	s0 =	sadd.s32 @!p1 s0, s8  }
0xca: {  	[tilespmem:s23], [sflag:$0x1] =	stream.linear.gather @!p1 [hbm4b:s0+s21], $0x2000, $0x38;
	[tilespmem:$0x1A740] =	vst v63  }
0xcb: {  	s0 =	sshll.u32 @!p1 s30, $0x7;
	s21 =	simm.s32 @!p1 $0x40;
	s23 =	simm.s32 @!p1 $0x8800  }
0xcc: {  	[tilespmem:s23], [sflag:$0x5] =	stream.indirect.gather @!p1 [hbm4b:s1+s21], $0x80, s0, s21, $0xb8;
	[tilespmem:$0x1A740] =	vst v63  }
0xcd: {  	s0 =	sadd.s32 @!p1 $0x400, s0;
	s23 =	simm.s32 @!p1 $0x10800  }
0xce: {  	[tilespmem:s23], [sflag:$0x9] =	stream.indirect.gather @!p1 [spmem:s4], $0x80, s0, s21, $0xb8;
	[tilespmem:$0x1A740] =	vst v63  }
0xcf: {  	_ =	swait.ge [sflag:s7], $0x2000  }
0xd0: {  	[sflag:s7] =	ssyncset.done $0x0  }
0xd1: {  	[sflag:s7] =	ssyncadd.s32 $0xFFFFE000  }
0xd2: {  	_ =	swait.ge [sflag:s16], $0x2000  }
0xd3: {  	[sflag:s16] =	ssyncset.done $0x0  }
0xd4: {  	[sflag:s16] =	ssyncadd.s32 $0xFFFFE000  }
0xd5: {  	_ =	swait.ge [sflag:s9], $0x2000  }
0xd6: {  	[sflag:s9] =	ssyncset.done $0x0  }
0xd7: {  	s30 =	simm.s32 $0x0;
	[sflag:s9] =	ssyncadd.s32 $0xFFFFE000  }
0xd8: {  	s0 =	simm.s32 $0x200;
	v0 =	vld [tilespmem:s30+$0xC870]  }
.LBB2_7:
0xd9: {  	p2 =	sne.s32 s0, $0x7E00;
	v1 =	vld [tilespmem:s30+$0x14870]  }
0xda: {  	v2 =	vld [tilespmem:s30+$0xC800]  }
0xdb: {  	v3 =	vld [tilespmem:s30+$0x14800]  }
0xdc: {  	v4 =	vld [tilespmem:s30+$0xC810]  }
0xdd: {  	v5 =	vld [tilespmem:s30+$0x14810]  }
0xde: {  	v6 =	vld [tilespmem:s30+$0xC820];
	v0 =	vadd.f32 v1, v0  }
0xdf: {  	v1 =	vld [tilespmem:s30+$0x14820]  }
0xe0: {  	v2 =	vadd.f32 v3, v2;
	[tilespmem:s30+$0x4870] =	vst.add.f32.msk $0xffff, v0  }
0xe1: {  	v0 =	vld [tilespmem:s30+$0xC830]  }
0xe2: {  	v3 =	vadd.f32 v5, v4;
	v4 =	vld [tilespmem:s30+$0x14830]  }
0xe3: {  	v5 =	vld [tilespmem:s30+$0xC840]  }
0xe4: {  	v1 =	vadd.f32 v1, v6;
	v6 =	vld [tilespmem:s30+$0x14840]  }
0xe5: {  	v7 =	vld [tilespmem:s30+$0xC850]  }
0xe6: {  	v8 =	vld [tilespmem:s30+$0x14850]  }
0xe7: {  	v0 =	vadd.f32 v4, v0;
	v4 =	vld [tilespmem:s30+$0xC860]  }
0xe8: {  	v9 =	vld [tilespmem:s30+$0x14860]  }
0xe9: {  	[tilespmem:s30+$0x4800] =	vst.add.f32.msk $0xffff, v2;
	v2 =	vadd.f32 v6, v5  }
0xea: {  	[tilespmem:s30+$0x4810] =	vst.add.f32.msk $0xffff, v3  }
0xeb: {  	[tilespmem:s30+$0x4820] =	vst.add.f32.msk $0xffff, v1;
	v1 =	vadd.f32 v8, v7  }
.Ltmp4:
0xec: {  	[tilespmem:s30+$0x4830] =	vst.add.f32.msk $0xffff, v0;
	(pc) =	sbr.rel @p2 .LBB2_7-.Ltmp4, $4  }
0xed: {  	[tilespmem:s30+$0x4840] =	vst.add.f32.msk $0xffff, v2;
	v0 =	vadd.f32 v9, v4  }
0xee: {  	[tilespmem:s30+$0x4850] =	vst.add.f32.msk $0xffff, v1  }
0xef: {  	[tilespmem:s30+$0x4860] =	vst.add.f32.msk $0xffff, v0;
	s30 =	sshra.s32 s0, $0x2  }
0xf0: {  	s0 =	sadd.s32 $0x200, s0;
	v0 =	vld [tilespmem:s30+$0xC870]  }
0xf1: {  	v1 =	vld [tilespmem:s30+$0x14870]  }
0xf2: {  	v2 =	vld [tilespmem:s30+$0xC800]  }
0xf3: {  	v3 =	vld [tilespmem:s30+$0x14800]  }
0xf4: {  	v4 =	vld [tilespmem:s30+$0xC810]  }
0xf5: {  	v5 =	vld [tilespmem:s30+$0x14810]  }
0xf6: {  	v6 =	vld [tilespmem:s30+$0xC820]  }
0xf7: {  	v7 =	vld [tilespmem:s30+$0x14830]  }
0xf8: {  	v8 =	vld [tilespmem:s30+$0xC840]  }
0xf9: {  	v9 =	vld [tilespmem:s30+$0x14840]  }
0xfa: {  	v10 =	vld [tilespmem:s30+$0xC850]  }
0xfb: {  	v11 =	vld [tilespmem:s30+$0x14850];
	v0 =	vadd.f32 v1, v0  }
0xfc: {  	v1 =	vld [tilespmem:s30+$0x14820]  }
0xfd: {  	[tilespmem:s30+$0x4870] =	vst.add.f32.msk $0xffff, v0  }
0xfe: {  	v0 =	vld [tilespmem:s30+$0xC830]  }
0xff: {  	v63 =	vld [tilespmem:s30+$0x14860];
	v2 =	vadd.f32 v3, v2  }
0x100: {  	v3 =	vld [tilespmem:s30+$0xC860];
	v4 =	vadd.f32 v5, v4  }
0x101: {  	[tilespmem:s30+$0x4800] =	vst.add.f32.msk $0xffff, v2;
	v2 =	vadd.f32 v9, v8  }
0x102: {  	[tilespmem:s30+$0x4810] =	vst.add.f32.msk $0xffff, v4;
	v1 =	vadd.f32 v1, v6  }
0x103: {  	[tilespmem:s30+$0x4840] =	vst.add.f32.msk $0xffff, v2;
	v0 =	vadd.f32 v7, v0  }
0x104: {  	[tilespmem:s30+$0x4820] =	vst.add.f32.msk $0xffff, v1;
	v1 =	vadd.f32 v11, v10  }
0x105: {  	[tilespmem:s30+$0x4830] =	vst.add.f32.msk $0xffff, v0;
	v0 =	vadd.f32 v63, v3  }
0x106: {  	[tilespmem:s30+$0x4850] =	vst.add.f32.msk $0xffff, v1  }
0x107: {  	s0 =	sadd.s32 $0x800, s3;
	[tilespmem:s30+$0x4860] =	vst.add.f32.msk $0xffff, v0  }
0x108: {  	[hbm4b:s0+s5] =	stream.linear.scatter [tilespmem:s28], [sflag:$0xF], $0x2000, $0x38;
	[tilespmem:$0x1A740] =	vst v63  }
0x109: {  	s0 =	simm.s32 @!p1 $0xE  }
0x10a: {  	_ =	swait.ge @!p1 [sflag:s0], $0x2000  }
0x10b: {  	s21 =	sadd.s32 @!p1 $0x5, s15;
	[sflag:s0] =	ssyncset.done @!p1 $0x0  }
0x10c: {  	[sflag:s0] =	ssyncadd.s32 @!p1 $0xFFFFE000;
	s0 =	sshll.u32 @!p1 s21, $0xA  }
0x10d: {  	s23 =	simm.s32 @!p1 $0x0;
	s30 =	simm.s32 @!p1 $0x2800;
	s0 =	sadd.s32 @!p1 s0, s8  }
0x10e: {  	[tilespmem:s30], [sflag:$0x2] =	stream.linear.gather @!p1 [hbm4b:s0+s23], $0x2000, $0x38;
	[tilespmem:$0x1A740] =	vst v63  }
0x10f: {  	s0 =	sshll.u32 @!p1 s21, $0x7;
	s21 =	simm.s32 @!p1 $0x40;
	s23 =	simm.s32 @!p1 $0xA800  }
0x110: {  	[tilespmem:s23], [sflag:$0x6] =	stream.indirect.gather @!p1 [hbm4b:s1+s21], $0x80, s0, s21, $0xb8;
	[tilespmem:$0x1A740] =	vst v63  }
0x111: {  	s0 =	sadd.s32 @!p1 $0x400, s0;
	s23 =	simm.s32 @!p1 $0x12800  }
0x112: {  	[tilespmem:s23], [sflag:$0xA] =	stream.indirect.gather @!p1 [spmem:s4], $0x80, s0, s21, $0xb8;
	[tilespmem:$0x1A740] =	vst v63  }
0x113: {  	_ =	swait.ge [sflag:s10], $0x2000  }
0x114: {  	[sflag:s10] =	ssyncset.done $0x0  }
0x115: {  	[sflag:s10] =	ssyncadd.s32 $0xFFFFE000  }
0x116: {  	_ =	swait.ge [sflag:s11], $0x2000  }
0x117: {  	[sflag:s11] =	ssyncset.done $0x0  }
0x118: {  	[sflag:s11] =	ssyncadd.s32 $0xFFFFE000  }
0x119: {  	_ =	swait.ge [sflag:s12], $0x2000  }
0x11a: {  	[sflag:s12] =	ssyncset.done $0x0  }
0x11b: {  	s30 =	simm.s32 $0x0;
	[sflag:s12] =	ssyncadd.s32 $0xFFFFE000  }
0x11c: {  	s0 =	simm.s32 $0x200;
	v0 =	vld [tilespmem:s30+$0xE870]  }
.LBB2_9:
0x11d: {  	p2 =	sne.s32 s0, $0x7E00;
	v1 =	vld [tilespmem:s30+$0x16870]  }
0x11e: {  	v2 =	vld [tilespmem:s30+$0xE800]  }
0x11f: {  	v3 =	vld [tilespmem:s30+$0x16800]  }
0x120: {  	v4 =	vld [tilespmem:s30+$0xE810]  }
0x121: {  	v5 =	vld [tilespmem:s30+$0x16810]  }
0x122: {  	v6 =	vld [tilespmem:s30+$0xE820];
	v0 =	vadd.f32 v1, v0  }
0x123: {  	v1 =	vld [tilespmem:s30+$0x16820]  }
0x124: {  	v2 =	vadd.f32 v3, v2;
	[tilespmem:s30+$0x6870] =	vst.add.f32.msk $0xffff, v0  }
0x125: {  	v0 =	vld [tilespmem:s30+$0xE830]  }
0x126: {  	v3 =	vadd.f32 v5, v4;
	v4 =	vld [tilespmem:s30+$0x16830]  }
0x127: {  	v5 =	vld [tilespmem:s30+$0xE840]  }
0x128: {  	v1 =	vadd.f32 v1, v6;
	v6 =	vld [tilespmem:s30+$0x16840]  }
0x129: {  	v7 =	vld [tilespmem:s30+$0xE850]  }
0x12a: {  	v8 =	vld [tilespmem:s30+$0x16850]  }
0x12b: {  	v0 =	vadd.f32 v4, v0;
	v4 =	vld [tilespmem:s30+$0xE860]  }
0x12c: {  	v9 =	vld [tilespmem:s30+$0x16860]  }
0x12d: {  	[tilespmem:s30+$0x6800] =	vst.add.f32.msk $0xffff, v2;
	v2 =	vadd.f32 v6, v5  }
0x12e: {  	[tilespmem:s30+$0x6810] =	vst.add.f32.msk $0xffff, v3  }
0x12f: {  	[tilespmem:s30+$0x6820] =	vst.add.f32.msk $0xffff, v1;
	v1 =	vadd.f32 v8, v7  }
.Ltmp5:
0x130: {  	[tilespmem:s30+$0x6830] =	vst.add.f32.msk $0xffff, v0;
	(pc) =	sbr.rel @p2 .LBB2_9-.Ltmp5, $4  }
0x131: {  	[tilespmem:s30+$0x6840] =	vst.add.f32.msk $0xffff, v2;
	v0 =	vadd.f32 v9, v4  }
0x132: {  	[tilespmem:s30+$0x6850] =	vst.add.f32.msk $0xffff, v1  }
0x133: {  	[tilespmem:s30+$0x6860] =	vst.add.f32.msk $0xffff, v0;
	s30 =	sshra.s32 s0, $0x2  }
0x134: {  	s0 =	sadd.s32 $0x200, s0;
	v0 =	vld [tilespmem:s30+$0xE870]  }
0x135: {  	v1 =	vld [tilespmem:s30+$0x16870]  }
0x136: {  	v2 =	vld [tilespmem:s30+$0xE800]  }
0x137: {  	v3 =	vld [tilespmem:s30+$0x16800]  }
0x138: {  	v4 =	vld [tilespmem:s30+$0xE810]  }
0x139: {  	v5 =	vld [tilespmem:s30+$0x16810]  }
0x13a: {  	v6 =	vld [tilespmem:s30+$0xE820]  }
0x13b: {  	v57 =	vld [tilespmem:s30+$0x16820]  }
0x13c: {  	v58 =	vld [tilespmem:s30+$0xE830]  }
0x13d: {  	v7 =	vld [tilespmem:s30+$0x16830]  }
0x13e: {  	v8 =	vld [tilespmem:s30+$0xE840]  }
0x13f: {  	v9 =	vld [tilespmem:s30+$0x16840]  }
0x140: {  	v10 =	vld [tilespmem:s30+$0xE850]  }
0x141: {  	v11 =	vld [tilespmem:s30+$0x16850]  }
0x142: {  	v59 =	vld [tilespmem:s30+$0xE860];
	v0 =	vadd.f32 v1, v0  }
0x143: {  	v60 =	vld [tilespmem:s30+$0x16860];
	v2 =	vadd.f32 v3, v2  }
0x144: {  	v4 =	vadd.f32 v5, v4;
	[tilespmem:s30+$0x6870] =	vst.add.f32.msk $0xffff, v0  }
0x145: {  	v1 =	vadd.f32 v57, v6;
	[tilespmem:s30+$0x6800] =	vst.add.f32.msk $0xffff, v2  }
0x146: {  	v61 =	vadd.f32 v9, v8;
	[tilespmem:s30+$0x6810] =	vst.add.f32.msk $0xffff, v4  }
0x147: {  	v62 =	vadd.f32 v11, v10;
	[tilespmem:s30+$0x6820] =	vst.add.f32.msk $0xffff, v1  }
.Ltmp6:
0x148: {  	v63 =	vadd.f32 v60, v59;
	[tilespmem:s30+$0x6840] =	vst.add.f32.msk $0xffff, v61;
	(pc) =	sbr.rel @p1 .LBB2_12-.Ltmp6, $4  }
0x149: {  	v0 =	vadd.f32 v7, v58;
	[tilespmem:s30+$0x6850] =	vst.add.f32.msk $0xffff, v62  }
0x14a: {  	[tilespmem:s30+$0x6860] =	vst.add.f32.msk $0xffff, v63  }
0x14b: {  	s0 =	sadd.s32 $0xC00, s3;
	[tilespmem:s30+$0x6830] =	vst.add.f32.msk $0xffff, v0  }
0x14c: {  	[hbm4b:s0+s5] =	stream.linear.scatter [tilespmem:s2], [sflag:$0x10], $0x2000, $0x38;
	[tilespmem:$0x1A740] =	vst v63  }
0x14d: {  	_ =	swait.ge [sflag:s14], $0x2000;
	s0 =	sadd.s32 $0x6, s15  }
0x14e: {  	[sflag:s14] =	ssyncset.done $0x0;
	s3 =	sshll.u32 s0, $0xA  }
0x14f: {  	[sflag:s14] =	ssyncadd.s32 $0xFFFFE000;
	s3 =	sadd.s32 s3, s8  }
0x150: {  	[tilespmem:s28], [sflag:$0x3] =	stream.linear.gather [hbm4b:s3+s5], $0x2000, $0x38;
	[tilespmem:$0x1A740] =	vst v63  }
0x151: {  	s23 =	simm.s32 $0xC800;
	s0 =	sshll.u32 s0, $0x7  }
0x152: {  	[tilespmem:s23], [sflag:$0x7] =	stream.indirect.gather [hbm4b:s1+s19], $0x80, s0, s19, $0xb8;
	[tilespmem:$0x1A740] =	vst v63  }
0x153: {  	s30 =	simm.s32 $0x14800;
	s0 =	sadd.s32 $0x400, s0  }
0x154: {  	[tilespmem:s30], [sflag:$0xB] =	stream.indirect.gather [spmem:s4], $0x80, s0, s19, $0xb8;
	[tilespmem:$0x1A740] =	vst v63  }
0x155: {  	s21 =	sadd.s32 $0x7, s15;
	_ =	swait.ge [sflag:s17], $0x2000  }
0x156: {  	s23 =	sshll.u32 s21, $0xA;
	[sflag:s17] =	ssyncset.done $0x0  }
.Ltmp7:
0x157: {  	s3 =	sadd.s32 s23, s8;
	[sflag:s17] =	ssyncadd.s32 $0xFFFFE000;
	(pc) =	sbr.rel .LBB2_2-.Ltmp7, $4  }
0x158: {  	[tilespmem:s2], [sflag:$0x4] =	stream.linear.gather [hbm4b:s3+s5], $0x2000, $0x38;
	[tilespmem:$0x1A740] =	vst v63  }
0x159: {  	s0 =	sshll.u32 s21, $0x7;
	s30 =	simm.s32 $0xE800  }
0x15a: {  	[tilespmem:s30], [sflag:$0x8] =	stream.indirect.gather [hbm4b:s1+s19], $0x80, s0, s19, $0xb8;
	[tilespmem:$0x1A740] =	vst v63  }
0x15b: {  	s15 =	simm.s32 $0x1;
	p1 =	por $0x1, $0x1;
	s0 =	sadd.s32 $0x400, s0  }
.LBB2_13:
0x15c: {  	_ =	sfence.sel $0x180000  }
0x15d: {  	[bflag:$0x0] =	sbarrier.arrive $0xFFFF  }
0x15e: {  	_ =	strace $0x90000047  }
0x15f: {  	[bflag:$0x2] =	sbarrier.arrive $0xFFFF  }
0x160: {  	s0 =	rddreg [dreg:$0x6]  }
0x161: {  	s0 =	sadd.s32 @!p0 $0x100000, s0  }
0x162: {  	[sflag:s0] =	ssyncadd.tile.s32 @!p0 $0x1;
	_ =	shalt  }
.Lfunc_end2:
_tile_overlayer_lowered:
.L_overlay_start_2:
0x163: {  	(tag) =	ssettag $0x2  }
0x164: {  	s0 =	rddreg [dreg:$0x0];
	s2 =	stileid.u32  }
0x165: {  	s1 =	rddreg [dreg:$0x1];
	p0 =	sne.s32 s2, $0x0  }
0x166: {  	s3 =	rddreg [dreg:$0x2];
	[bflag:$0x3] =	sbarrier.arrive $0xFFFF;
	s2 =	simm.s32 @!p0 $0x1C11  }
0x167: {  	[timem:s3], [sflag:s2] =	dma.local @!p0 [hbm:s0], s1  }
0x168: {  	s0 =	simm.s32 @!p0 $0x11  }
0x169: {  	_ =	swait.ge @!p0 [sflag:s0], s1  }
0x16a: {  	s1 =	ssub.s32 @!p0 $0x0, s1;
	[sflag:s0] =	ssyncset.done @!p0 $0x0  }
0x16b: {  	[sflag:s0] =	ssyncadd.s32 @!p0 s1  }
0x16c: {  	[bflag:$0x3] =	sbarrier.arrive $0xFFFF  }
0x16d: {  	_ =	shalt  }

</sc_bundles>
